<compile_context>
chip_gen: v7x
topology: tpu7x:2x2x1
jax: 0.10.2.dev20260603
libtpu: 0.0.44.dev20260713+nightly
codegen_flags: <defaults>
</compile_context>

<pallas_src>
import functools

import jax
import jax.numpy as jnp
from jax import lax
from jax.experimental import pallas as pl
from jax.experimental.pallas import tpu as pltpu
from jax.experimental.pallas import tpu_sc as plsc

Q, K, D, DF = 1024, 100000, 128, 64
KPAD = 100352
QBLK, KBLK = 256, 512

NBIN = 4112
CAP = 4096
TOPN = 200
OUTW = 208
L = 16


def _l2norm(x, axis):
    n = jnp.linalg.norm(x, axis=axis, keepdims=True)
    return x / jnp.clip(n, 1e-12)


def _w_body(stn_ref, memn_ref, w_ref):
    j = pl.program_id(0)
    sim = lax.dot_general(stn_ref[...], memn_ref[...], (((1,), (1,)), ((), ())),
                          preferred_element_type=jnp.float32)
    col = j * KBLK + lax.broadcasted_iota(jnp.int32, (QBLK, KBLK), 1)
    w_ref[...] = jnp.where(col < K, sim, -2.0)


def _bin16(v):
    a = (v + 1.0) * 2048.0
    return jnp.clip(a.astype(jnp.int32), 0, NBIN - 9)


def _topk_sc_body(w_hbm, out_hbm, row_v, hist_v, cval_v, cidx_v, outb_v):
    wid = lax.axis_index("s") * 2 + lax.axis_index("c")
    lanes = jnp.arange(L, dtype=jnp.int32)
    ones = jnp.ones((L,), jnp.int32)
    NV = KPAD // L

    def per_query(qq, _):
        q = wid * 32 + qq
        pltpu.sync_copy(w_hbm.at[pl.ds(q * KPAD, KPAD)], row_v)

        def zb(g, _):
            hist_v[pl.ds(g * L, L)] = jnp.zeros((L,), jnp.int32)
            return 0
        lax.fori_loop(0, NBIN // L, zb, 0)

        def h1(i, _):
            base = i * (8 * L)
            for u in range(8):
                v = row_v[pl.ds(base + u * L, L)]
                plsc.addupdate_scatter(hist_v, [_bin16(v)], ones)
            return 0
        lax.fori_loop(0, NV // 8, h1, 0)

        def scan(g, carry):
            cum, bstar, nge, found = carry
            gg = (NBIN // L - 1) - g
            grp = hist_v[pl.ds(gg * L, L)]
            suf = lax.rev(plsc.cumsum(lax.rev(grp, (0,))), (0,))
            tot = suf + cum
            sel = jnp.where(tot >= TOPN, lanes, -1)
            mx = jnp.max(sel)
            here = mx >= 0
            s_mx = jnp.max(jnp.where(lanes == mx, tot, 0))
            take = jnp.logical_and(here, found == 0)
            bstar = jnp.where(take, gg * L + mx, bstar)
            nge = jnp.where(take, s_mx, nge)
            found = jnp.where(here, 1, found)
            return cum + jnp.sum(grp), bstar, nge, found
        _, bstar, nge, _ = lax.fori_loop(
            0, NBIN // L, scan,
            (jnp.int32(0), jnp.int32(0), jnp.int32(0), jnp.int32(0)))

        ncand = jnp.minimum(nge, CAP)
        nvec = (ncand + (L - 1)) // L

        def c2(i, ptrv):
            vs, msks, css, pcs = [], [], [], []
            for u in range(4):
                off = i * (4 * L) + u * L
                v = row_v[pl.ds(off, L)]
                msk = _bin16(v) >= bstar
                vs.append(v)
                msks.append(msk)
                css.append(plsc.cumsum(msk.astype(jnp.int32)))
                pcs.append(plsc.all_reduce_population_count(msk))
            for u in range(4):
                off = i * (4 * L) + u * L
                pos = jnp.minimum(ptrv + css[u] - 1, CAP - 1)
                plsc.store_scatter(cval_v, [pos], vs[u], mask=msks[u])
                plsc.store_scatter(cidx_v, [pos], off + lanes, mask=msks[u])
                ptrv = ptrv + pcs[u]
            return ptrv
        ptrv = lax.fori_loop(0, NV // 4, c2, jnp.zeros((L,), jnp.int32))

        tail = (nvec - 1) * L
        slot = tail + lanes
        tv = cval_v[pl.ds(tail, L)]
        ti = cidx_v[pl.ds(tail, L)]
        cval_v[pl.ds(tail, L)] = jnp.where(slot >= ncand, -3.0, tv)
        cidx_v[pl.ds(tail, L)] = jnp.where(slot >= ncand, jnp.int32(2**31 - 1), ti)
        cval_v[pl.ds(nvec * L, L)] = jnp.full((L,), -3.0)
        cidx_v[pl.ds(nvec * L, L)] = jnp.full((L,), 2**31 - 1, jnp.int32)

        def ex(s, carry):
            outvec, mp, ip = carry

            def rmax(j, c):
                vm, im = c
                for u in range(2):
                    off = (2 * j + u) * L
                    v = cval_v[pl.ds(off, L)]
                    ix = cidx_v[pl.ds(off, L)]
                    elig = jnp.logical_or(
                        v < mp, jnp.logical_and(v == mp, ix > ip))
                    gt = jnp.logical_and(elig, v > vm)
                    eq = jnp.logical_and(elig, v == vm)
                    vm = jnp.where(gt, v, vm)
                    im = jnp.where(gt, ix,
                                   jnp.where(eq, jnp.minimum(im, ix), im))
                return vm, im
            vm, im = lax.fori_loop(
                0, (nvec + 1) // 2, rmax,
                (jnp.full((L,), -4.0), jnp.full((L,), 2**31 - 1, jnp.int32)))
            m = jnp.max(vm)
            imin = jnp.min(jnp.where(vm == m, im, jnp.int32(2**31 - 1)))

            outvec = jnp.where(lanes == (s % L), imin, outvec)
            outb_v[pl.ds((s // L) * L, L)] = outvec
            return outvec, m, imin
        lax.fori_loop(0, OUTW, ex,
                      (jnp.zeros((L,), jnp.int32), jnp.float32(1e9),
                       jnp.int32(-1)))

        pltpu.sync_copy(outb_v, out_hbm.at[pl.ds(q * OUTW, OUTW)])
        return 0

    lax.fori_loop(0, 32, per_query, 0)


def _topk_sc(w):
    mesh = plsc.VectorSubcoreMesh(core_axis_name="c", subcore_axis_name="s")
    fn = functools.partial(
        pl.kernel,
        mesh=mesh,
        compiler_params=pltpu.CompilerParams(needs_layout_passes=False),
        out_type=jax.ShapeDtypeStruct((Q * OUTW,), jnp.int32),
        scratch_types=[
            pltpu.VMEM((KPAD,), jnp.float32),
            pltpu.VMEM((NBIN,), jnp.int32),
            pltpu.VMEM((CAP + L,), jnp.float32),
            pltpu.VMEM((CAP + L,), jnp.int32),
            pltpu.VMEM((OUTW,), jnp.int32),
        ],
    )(_topk_sc_body)
    return fn(w.reshape(-1))


def kernel(state_past, memory_past, memory_fut, W_q, W_m):
    stn = _l2norm(state_past, axis=1)
    pn = jnp.pad(_l2norm(memory_past, axis=1), ((0, KPAD - K), (0, 0)))

    w = pl.pallas_call(
        _w_body,
        grid=(KPAD // KBLK, Q // QBLK),
        in_specs=[
            pl.BlockSpec((QBLK, D), lambda j, i: (i, 0)),
            pl.BlockSpec((KBLK, D), lambda j, i: (j, 0)),
        ],
        out_specs=pl.BlockSpec((QBLK, KBLK), lambda j, i: (i, j)),
        out_shape=jax.ShapeDtypeStruct((Q, KPAD), jnp.float32),
    )(stn, pn)

    index_max = _topk_sc(w).reshape(Q, OUTW)[:, :TOPN]

    mem_p = jnp.take(memory_past, index_max, axis=0)
    mem_f = jnp.take(memory_fut, index_max, axis=0)
    q_sel = _l2norm(state_past @ W_q, axis=1)[:, None, :]
    m_sel = _l2norm(mem_p @ W_m, axis=2)
    w2 = jnp.einsum('qod,qkd->qk', q_sel, m_sel)
    _, idx2 = lax.top_k(w2, 120)
    feat_fut = jnp.take_along_axis(mem_f, idx2[:, :, None], axis=1)
    return feat_fut

# --- scband reference (transcript-rebuilt; emitter-appended) ---
"""Pipeline reference for scband-model-encdec-19885698580929 (READ-ONLY COPY).

The authoritative reference and input builder live on the scoring server;
editing this copy changes nothing except your own understanding.
"""

import jax, jax.numpy as jnp
import numpy as np


def _l2norm(x, axis):
    n = jnp.linalg.norm(x, axis=axis, keepdims=True)
    return x / jnp.clip(n, 1e-12)


def setup_inputs(seed: int = 0) -> dict:
    key = jax.random.key(seed)
    k1, k2, k3, k4, k5 = jax.random.split(key, 5)
    Q, K, D, DF = 1024, 100000, 128, 64
    return {
        "state_past": jax.random.normal(k1, (Q, D), dtype=jnp.float32),
        "memory_past": jax.random.normal(k2, (K, D), dtype=jnp.float32),
        "memory_fut": jax.random.normal(k3, (K, DF), dtype=jnp.float32),
        "W_q": jax.random.normal(k4, (D, D), dtype=jnp.float32) * 0.1,
        "W_m": jax.random.normal(k5, (D, D), dtype=jnp.float32) * 0.1,
    }


def reference(state_past, memory_past, memory_fut, W_q, W_m):
    # Stage 1: get_memory_index -- cosine-similarity retrieval over the
    # full memory bank, then take the 200 best-matching memory slots
    # (mirrors the original sort-descending + 200-iteration gather loop).
    pn = _l2norm(memory_past, axis=1)
    sn = _l2norm(state_past, axis=1)
    weight_read = sn @ pn.T                      # [Q, K]
    _, index_max = jax.lax.top_k(weight_read, 200)
    mem_p = jnp.take(memory_past, index_max, axis=0)   # [Q, 200, D]
    mem_f = jnp.take(memory_fut, index_max, axis=0)    # [Q, 200, DF]
    # Stage 2: learned selectors (input_query_w / past_memory_w) +
    # get_memory_index_batch re-ranking over the retrieved candidates,
    # then gather the top-120 future features (the feat_fut loop).
    q_sel = _l2norm(state_past @ W_q, axis=1)[:, None, :]   # [Q, 1, D]
    m_sel = _l2norm(mem_p @ W_m, axis=2)                    # [Q, 200, D]
    weight_read2 = jnp.einsum('qod,qkd->qk', q_sel, m_sel)  # [Q, 200]
    _, idx2 = jax.lax.top_k(weight_read2, 120)
    feat_fut = jnp.take_along_axis(mem_f, idx2[:, :, None], axis=1)  # [Q, 120, DF]
    return feat_fut

if __name__ == "__main__":
    import jax
    _d = setup_inputs()
    print(jax.jit(kernel)(*tuple(_d.values())))

</pallas_src>

<mosaic_0001>
#map = affine_map<(d0, d1) -> (0)>
module attributes {stable_mosaic.version = 14 : i64} {
  func.func @_topk_sc_body(%arg0: i32, %arg1: i32, %arg2: memref<102760448xf32, #tpu.memory_space<hbm>>, %arg3: memref<212992xi32, #tpu.memory_space<hbm>>, %arg4: memref<100352xf32, #tpu.memory_space<vmem>>, %arg5: memref<4112xi32, #tpu.memory_space<vmem>>, %arg6: memref<4112xf32, #tpu.memory_space<vmem>>, %arg7: memref<4112xi32, #tpu.memory_space<vmem>>, %arg8: memref<208xi32, #tpu.memory_space<vmem>>) attributes {dimension_semantics = [#tpu.dimension_semantics<core_parallel>, #tpu.dimension_semantics<subcore_parallel>], iteration_bounds = array<i64: 2, 16>, scalar_prefetch = 0 : i64, scratch_operands = 5 : i64, tpu.core_type = #tpu.core_type<sc_vector_subcore>, window_params = [{transform_indices = #map}, {transform_indices = #map}]} {
    %mul3A = arith.constant 2 : i32
    %mul3A_0 = arith.muli %arg1, %mul3A : i32
    %add3A = arith.addi %mul3A_0, %arg0 : i32
    %iota3A = tpu.iota {dimensions = array<i32: 0>} : vector<16xi32>
    %broadcast_in_dim3A = arith.constant 1 : i32
    %broadcast_in_dim3A_1 = vector.broadcast %broadcast_in_dim3A : i32 to vector<16xi32>
    %scan3A = arith.constant 0 : i32
    %scan3A_2 = arith.constant 0 : i32
    %scan3A_3 = arith.constant 32 : i32
    %scan3A_4 = arith.addi %scan3A_2, %scan3A_3 : i32
    %scan3A_5 = arith.constant 1 : i32
    %scan3A_6 = scf.for %scan3A_8 = %scan3A_2 to %scan3A_4 step %scan3A_5 iter_args(%scan3A_9 = %scan3A) -> (i32)  : i32 {
      %mul3A_10 = arith.constant 32 : i32
      %mul3A_11 = arith.muli %add3A, %mul3A_10 : i32
      %add3A_12 = arith.addi %mul3A_11, %scan3A_8 : i32
      %mul3A_13 = arith.constant 100352 : i32
      %mul3A_14 = arith.muli %add3A_12, %mul3A_13 : i32
      "tpu.region"() ({
        %run_scoped3A = tpu.sem_alloc : memref<!tpu.dma_semaphore, #tpu.memory_space<semaphore_mem>>
        %dma_start3A = tpu.memref_slice %arg2[%mul3A_14] : memref<102760448xf32, #tpu.memory_space<hbm>> -> memref<100352xf32, #tpu.memory_space<hbm>>
        %dma_start3A_112 = tpu.memref_slice %arg2[%mul3A_14] : memref<102760448xf32, #tpu.memory_space<hbm>> -> memref<100352xf32, #tpu.memory_space<hbm>>
        tpu.enqueue_dma source(%dma_start3A_112 : memref<100352xf32, #tpu.memory_space<hbm>>) target(%arg4 : memref<100352xf32, #tpu.memory_space<vmem>>) target_semaphore(%run_scoped3A : memref<!tpu.dma_semaphore, #tpu.memory_space<semaphore_mem>>)
        %dma_wait3A = tpu.memref_slice %arg2[%mul3A_14] : memref<102760448xf32, #tpu.memory_space<hbm>> -> memref<100352xf32, #tpu.memory_space<hbm>>
        %dma_wait3A_113 = tpu.memref_slice %arg2[%mul3A_14] : memref<102760448xf32, #tpu.memory_space<hbm>> -> memref<100352xf32, #tpu.memory_space<hbm>>
        tpu.wait_dma2 semaphore(%run_scoped3A : memref<!tpu.dma_semaphore, #tpu.memory_space<semaphore_mem>>) src(%dma_wait3A_113 : memref<100352xf32, #tpu.memory_space<hbm>>) dst(%arg4 : memref<100352xf32, #tpu.memory_space<vmem>>)
        tpu.yield
      }) : () -> ()
      %scan3A_15 = arith.constant 0 : i32
      %scan3A_16 = arith.constant 0 : i32
      %scan3A_17 = arith.constant 257 : i32
      %scan3A_18 = arith.addi %scan3A_16, %scan3A_17 : i32
      %scan3A_19 = arith.constant 1 : i32
      %scan3A_20 = scf.for %scan3A_112 = %scan3A_16 to %scan3A_18 step %scan3A_19 iter_args(%scan3A_113 = %scan3A_15) -> (i32)  : i32 {
        %broadcast_in_dim3A_114 = arith.constant 0 : i32
        %broadcast_in_dim3A_115 = vector.broadcast %broadcast_in_dim3A_114 : i32 to vector<16xi32>
        %mul3A_116 = arith.constant 16 : i32
        %mul3A_117 = arith.muli %scan3A_112, %mul3A_116 : i32
        %swap3A_118 = arith.index_cast %mul3A_117 : i32 to index
        %swap3A_119 = tpu.vector_load %arg5[%swap3A_118] {strides = array<i32>} : memref<4112xi32, #tpu.memory_space<vmem>>, vector<16xi32>,
        tpu.vector_store %arg5[%swap3A_118], %broadcast_in_dim3A_115 {strides = array<i32>} : memref<4112xi32, #tpu.memory_space<vmem>>, vector<16xi32>,
        %scan3A_120 = arith.constant 0 : i32
        scf.yield %scan3A_120 : i32
      }
      %scan3A_21 = arith.constant 257 : i32
      %scan3A_22 = arith.constant 0 : i32
      %scan3A_23 = arith.constant 0 : i32
      %scan3A_24 = arith.constant 784 : i32
      %scan3A_25 = arith.addi %scan3A_23, %scan3A_24 : i32
      %scan3A_26 = arith.constant 1 : i32
      %scan3A_27 = scf.for %scan3A_112 = %scan3A_23 to %scan3A_25 step %scan3A_26 iter_args(%scan3A_113 = %scan3A_22) -> (i32)  : i32 {
        %mul3A_114 = arith.constant 128 : i32
        %mul3A_115 = arith.muli %scan3A_112, %mul3A_114 : i32
        %add3A_116 = arith.constant 0 : i32
        %add3A_117 = arith.addi %mul3A_115, %add3A_116 : i32
        %get3A_118 = arith.index_cast %add3A_117 : i32 to index
        %get3A_119 = tpu.vector_load %arg4[%get3A_118] {strides = array<i32>} : memref<100352xf32, #tpu.memory_space<vmem>>, vector<16xf32>,
        %add3A_120 = arith.constant 1.000000e+00 : f32
        %add3A_121 = vector.broadcast %add3A_120 : f32 to vector<16xf32>
        %add3A_122 = arith.addf %get3A_119, %add3A_121 : vector<16xf32>
        %mul3A_123 = arith.constant 2.048000e+03 : f32
        %mul3A_124 = vector.broadcast %mul3A_123 : f32 to vector<16xf32>
        %mul3A_125 = arith.mulf %add3A_122, %mul3A_124 : vector<16xf32>
        %convert_element_type3A = arith.fptosi %mul3A_125 : vector<16xf32> to vector<16xi32>
        %jit3A_126 = arith.constant 0 : i32
        %jit3A_127 = arith.constant 4103 : i32
        %max3A = vector.broadcast %jit3A_126 : i32 to vector<16xi32>
        %max3A_128 = arith.maxsi %max3A, %convert_element_type3A : vector<16xi32>
        %min3A_129 = vector.broadcast %jit3A_127 : i32 to vector<16xi32>
        %min3A_130 = arith.minsi %min3A_129, %max3A_128 : vector<16xi32>
        tpu.vector_store_idx %arg5[%min3A_130], %broadcast_in_dim3A_1 {add = true} : memref<4112xi32, #tpu.memory_space<vmem>>[vector<16xi32>], vector<16xi32>,
        %add3A_131 = arith.constant 16 : i32
        %add3A_132 = arith.addi %mul3A_115, %add3A_131 : i32
        %get3A_133 = arith.index_cast %add3A_132 : i32 to index
        %get3A_134 = tpu.vector_load %arg4[%get3A_133] {strides = array<i32>} : memref<100352xf32, #tpu.memory_space<vmem>>, vector<16xf32>,
        %add3A_135 = arith.constant 1.000000e+00 : f32
        %add3A_136 = vector.broadcast %add3A_135 : f32 to vector<16xf32>
        %add3A_137 = arith.addf %get3A_134, %add3A_136 : vector<16xf32>
        %mul3A_138 = arith.constant 2.048000e+03 : f32
        %mul3A_139 = vector.broadcast %mul3A_138 : f32 to vector<16xf32>
        %mul3A_140 = arith.mulf %add3A_137, %mul3A_139 : vector<16xf32>
        %convert_element_type3A_141 = arith.fptosi %mul3A_140 : vector<16xf32> to vector<16xi32>
        %jit3A_142 = arith.constant 0 : i32
        %jit3A_143 = arith.constant 4103 : i32
        %max3A_144 = vector.broadcast %jit3A_142 : i32 to vector<16xi32>
        %max3A_145 = arith.maxsi %max3A_144, %convert_element_type3A_141 : vector<16xi32>
        %min3A_146 = vector.broadcast %jit3A_143 : i32 to vector<16xi32>
        %min3A_147 = arith.minsi %min3A_146, %max3A_145 : vector<16xi32>
        tpu.vector_store_idx %arg5[%min3A_147], %broadcast_in_dim3A_1 {add = true} : memref<4112xi32, #tpu.memory_space<vmem>>[vector<16xi32>], vector<16xi32>,
        %add3A_148 = arith.constant 32 : i32
        %add3A_149 = arith.addi %mul3A_115, %add3A_148 : i32
        %get3A_150 = arith.index_cast %add3A_149 : i32 to index
        %get3A_151 = tpu.vector_load %arg4[%get3A_150] {strides = array<i32>} : memref<100352xf32, #tpu.memory_space<vmem>>, vector<16xf32>,
        %add3A_152 = arith.constant 1.000000e+00 : f32
        %add3A_153 = vector.broadcast %add3A_152 : f32 to vector<16xf32>
        %add3A_154 = arith.addf %get3A_151, %add3A_153 : vector<16xf32>
        %mul3A_155 = arith.constant 2.048000e+03 : f32
        %mul3A_156 = vector.broadcast %mul3A_155 : f32 to vector<16xf32>
        %mul3A_157 = arith.mulf %add3A_154, %mul3A_156 : vector<16xf32>
        %convert_element_type3A_158 = arith.fptosi %mul3A_157 : vector<16xf32> to vector<16xi32>
        %jit3A_159 = arith.constant 0 : i32
        %jit3A_160 = arith.constant 4103 : i32
        %max3A_161 = vector.broadcast %jit3A_159 : i32 to vector<16xi32>
        %max3A_162 = arith.maxsi %max3A_161, %convert_element_type3A_158 : vector<16xi32>
        %min3A_163 = vector.broadcast %jit3A_160 : i32 to vector<16xi32>
        %min3A_164 = arith.minsi %min3A_163, %max3A_162 : vector<16xi32>
        tpu.vector_store_idx %arg5[%min3A_164], %broadcast_in_dim3A_1 {add = true} : memref<4112xi32, #tpu.memory_space<vmem>>[vector<16xi32>], vector<16xi32>,
        %add3A_165 = arith.constant 48 : i32
        %add3A_166 = arith.addi %mul3A_115, %add3A_165 : i32
        %get3A_167 = arith.index_cast %add3A_166 : i32 to index
        %get3A_168 = tpu.vector_load %arg4[%get3A_167] {strides = array<i32>} : memref<100352xf32, #tpu.memory_space<vmem>>, vector<16xf32>,
        %add3A_169 = arith.constant 1.000000e+00 : f32
        %add3A_170 = vector.broadcast %add3A_169 : f32 to vector<16xf32>
        %add3A_171 = arith.addf %get3A_168, %add3A_170 : vector<16xf32>
        %mul3A_172 = arith.constant 2.048000e+03 : f32
        %mul3A_173 = vector.broadcast %mul3A_172 : f32 to vector<16xf32>
        %mul3A_174 = arith.mulf %add3A_171, %mul3A_173 : vector<16xf32>
        %convert_element_type3A_175 = arith.fptosi %mul3A_174 : vector<16xf32> to vector<16xi32>
        %jit3A_176 = arith.constant 0 : i32
        %jit3A_177 = arith.constant 4103 : i32
        %max3A_178 = vector.broadcast %jit3A_176 : i32 to vector<16xi32>
        %max3A_179 = arith.maxsi %max3A_178, %convert_element_type3A_175 : vector<16xi32>
        %min3A_180 = vector.broadcast %jit3A_177 : i32 to vector<16xi32>
        %min3A_181 = arith.minsi %min3A_180, %max3A_179 : vector<16xi32>
        tpu.vector_store_idx %arg5[%min3A_181], %broadcast_in_dim3A_1 {add = true} : memref<4112xi32, #tpu.memory_space<vmem>>[vector<16xi32>], vector<16xi32>,
        %add3A_182 = arith.constant 64 : i32
        %add3A_183 = arith.addi %mul3A_115, %add3A_182 : i32
        %get3A_184 = arith.index_cast %add3A_183 : i32 to index
        %get3A_185 = tpu.vector_load %arg4[%get3A_184] {strides = array<i32>} : memref<100352xf32, #tpu.memory_space<vmem>>, vector<16xf32>,
        %add3A_186 = arith.constant 1.000000e+00 : f32
        %add3A_187 = vector.broadcast %add3A_186 : f32 to vector<16xf32>
        %add3A_188 = arith.addf %get3A_185, %add3A_187 : vector<16xf32>
        %mul3A_189 = arith.constant 2.048000e+03 : f32
        %mul3A_190 = vector.broadcast %mul3A_189 : f32 to vector<16xf32>
        %mul3A_191 = arith.mulf %add3A_188, %mul3A_190 : vector<16xf32>
        %convert_element_type3A_192 = arith.fptosi %mul3A_191 : vector<16xf32> to vector<16xi32>
        %jit3A_193 = arith.constant 0 : i32
        %jit3A_194 = arith.constant 4103 : i32
        %max3A_195 = vector.broadcast %jit3A_193 : i32 to vector<16xi32>
        %max3A_196 = arith.maxsi %max3A_195, %convert_element_type3A_192 : vector<16xi32>
        %min3A_197 = vector.broadcast %jit3A_194 : i32 to vector<16xi32>
        %min3A_198 = arith.minsi %min3A_197, %max3A_196 : vector<16xi32>
        tpu.vector_store_idx %arg5[%min3A_198], %broadcast_in_dim3A_1 {add = true} : memref<4112xi32, #tpu.memory_space<vmem>>[vector<16xi32>], vector<16xi32>,
        %add3A_199 = arith.constant 80 : i32
        %add3A_200 = arith.addi %mul3A_115, %add3A_199 : i32
        %get3A_201 = arith.index_cast %add3A_200 : i32 to index
        %get3A_202 = tpu.vector_load %arg4[%get3A_201] {strides = array<i32>} : memref<100352xf32, #tpu.memory_space<vmem>>, vector<16xf32>,
        %add3A_203 = arith.constant 1.000000e+00 : f32
        %add3A_204 = vector.broadcast %add3A_203 : f32 to vector<16xf32>
        %add3A_205 = arith.addf %get3A_202, %add3A_204 : vector<16xf32>
        %mul3A_206 = arith.constant 2.048000e+03 : f32
        %mul3A_207 = vector.broadcast %mul3A_206 : f32 to vector<16xf32>
        %mul3A_208 = arith.mulf %add3A_205, %mul3A_207 : vector<16xf32>
        %convert_element_type3A_209 = arith.fptosi %mul3A_208 : vector<16xf32> to vector<16xi32>
        %jit3A_210 = arith.constant 0 : i32
        %jit3A_211 = arith.constant 4103 : i32
        %max3A_212 = vector.broadcast %jit3A_210 : i32 to vector<16xi32>
        %max3A_213 = arith.maxsi %max3A_212, %convert_element_type3A_209 : vector<16xi32>
        %min3A_214 = vector.broadcast %jit3A_211 : i32 to vector<16xi32>
        %min3A_215 = arith.minsi %min3A_214, %max3A_213 : vector<16xi32>
        tpu.vector_store_idx %arg5[%min3A_215], %broadcast_in_dim3A_1 {add = true} : memref<4112xi32, #tpu.memory_space<vmem>>[vector<16xi32>], vector<16xi32>,
        %add3A_216 = arith.constant 96 : i32
        %add3A_217 = arith.addi %mul3A_115, %add3A_216 : i32
        %get3A_218 = arith.index_cast %add3A_217 : i32 to index
        %get3A_219 = tpu.vector_load %arg4[%get3A_218] {strides = array<i32>} : memref<100352xf32, #tpu.memory_space<vmem>>, vector<16xf32>,
        %add3A_220 = arith.constant 1.000000e+00 : f32
        %add3A_221 = vector.broadcast %add3A_220 : f32 to vector<16xf32>
        %add3A_222 = arith.addf %get3A_219, %add3A_221 : vector<16xf32>
        %mul3A_223 = arith.constant 2.048000e+03 : f32
        %mul3A_224 = vector.broadcast %mul3A_223 : f32 to vector<16xf32>
        %mul3A_225 = arith.mulf %add3A_222, %mul3A_224 : vector<16xf32>
        %convert_element_type3A_226 = arith.fptosi %mul3A_225 : vector<16xf32> to vector<16xi32>
        %jit3A_227 = arith.constant 0 : i32
        %jit3A_228 = arith.constant 4103 : i32
        %max3A_229 = vector.broadcast %jit3A_227 : i32 to vector<16xi32>
        %max3A_230 = arith.maxsi %max3A_229, %convert_element_type3A_226 : vector<16xi32>
        %min3A_231 = vector.broadcast %jit3A_228 : i32 to vector<16xi32>
        %min3A_232 = arith.minsi %min3A_231, %max3A_230 : vector<16xi32>
        tpu.vector_store_idx %arg5[%min3A_232], %broadcast_in_dim3A_1 {add = true} : memref<4112xi32, #tpu.memory_space<vmem>>[vector<16xi32>], vector<16xi32>,
        %add3A_233 = arith.constant 112 : i32
        %add3A_234 = arith.addi %mul3A_115, %add3A_233 : i32
        %get3A_235 = arith.index_cast %add3A_234 : i32 to index
        %get3A_236 = tpu.vector_load %arg4[%get3A_235] {strides = array<i32>} : memref<100352xf32, #tpu.memory_space<vmem>>, vector<16xf32>,
        %add3A_237 = arith.constant 1.000000e+00 : f32
        %add3A_238 = vector.broadcast %add3A_237 : f32 to vector<16xf32>
        %add3A_239 = arith.addf %get3A_236, %add3A_238 : vector<16xf32>
        %mul3A_240 = arith.constant 2.048000e+03 : f32
        %mul3A_241 = vector.broadcast %mul3A_240 : f32 to vector<16xf32>
        %mul3A_242 = arith.mulf %add3A_239, %mul3A_241 : vector<16xf32>
        %convert_element_type3A_243 = arith.fptosi %mul3A_242 : vector<16xf32> to vector<16xi32>
        %jit3A_244 = arith.constant 0 : i32
        %jit3A_245 = arith.constant 4103 : i32
        %max3A_246 = vector.broadcast %jit3A_244 : i32 to vector<16xi32>
        %max3A_247 = arith.maxsi %max3A_246, %convert_element_type3A_243 : vector<16xi32>
        %min3A_248 = vector.broadcast %jit3A_245 : i32 to vector<16xi32>
        %min3A_249 = arith.minsi %min3A_248, %max3A_247 : vector<16xi32>
        tpu.vector_store_idx %arg5[%min3A_249], %broadcast_in_dim3A_1 {add = true} : memref<4112xi32, #tpu.memory_space<vmem>>[vector<16xi32>], vector<16xi32>,
        %scan3A_250 = arith.constant 0 : i32
        scf.yield %scan3A_250 : i32
      }
      %scan3A_28 = arith.constant 784 : i32
      %scan3A_29 = arith.constant 0 : i32
      %scan3A_30 = arith.constant 0 : i32
      %scan3A_31 = arith.constant 0 : i32
      %scan3A_32 = arith.constant 0 : i32
      %scan3A_33 = arith.constant 0 : i32
      %scan3A_34 = arith.constant 257 : i32
      %scan3A_35 = arith.addi %scan3A_33, %scan3A_34 : i32
      %scan3A_36 = arith.constant 1 : i32
      %scan3A_37:4 = scf.for %scan3A_112 = %scan3A_33 to %scan3A_35 step %scan3A_36 iter_args(%scan3A_113 = %scan3A_29, %scan3A_114 = %scan3A_30, %scan3A_115 = %scan3A_31, %scan3A_116 = %scan3A_32) -> (i32, i32, i32, i32)  : i32 {
        %sub3A_117 = arith.constant 256 : i32
        %sub3A_118 = arith.subi %sub3A_117, %scan3A_112 : i32
        %mul3A_119 = arith.constant 16 : i32
        %mul3A_120 = arith.muli %sub3A_118, %mul3A_119 : i32
        %get3A_121 = arith.index_cast %mul3A_120 : i32 to index
        %get3A_122 = tpu.vector_load %arg5[%get3A_121] {strides = array<i32>} : memref<4112xi32, #tpu.memory_space<vmem>>, vector<16xi32>,
        %rev3A = arith.constant 15 : i32
        %rev3A_123 = vector.broadcast %rev3A : i32 to vector<16xi32>
        %rev3A_124 = tpu.iota {dimensions = array<i32: 0>} : vector<16xi32>
        %rev3A_125 = arith.subi %rev3A_123, %rev3A_124 : vector<16xi32>
        %rev3A_126 = tpu.dynamic_gather %get3A_122[%rev3A_125] in [0] : vector<16xi32>, vector<16xi32> -> vector<16xi32>
        %broadcast_in_dim3A_127 = arith.constant true
        %broadcast_in_dim3A_128 = vector.broadcast %broadcast_in_dim3A_127 : i1 to vector<16xi1>
        %masked_cumsum3A = tpu.scan <sum>, %rev3A_126 masked %broadcast_in_dim3A_128 : vector<16xi32>, vector<16xi1> -> vector<16xi32>
        %rev3A_129 = arith.constant 15 : i32
        %rev3A_130 = vector.broadcast %rev3A_129 : i32 to vector<16xi32>
        %rev3A_131 = tpu.iota {dimensions = array<i32: 0>} : vector<16xi32>
        %rev3A_132 = arith.subi %rev3A_130, %rev3A_131 : vector<16xi32>
        %rev3A_133 = tpu.dynamic_gather %masked_cumsum3A[%rev3A_132] in [0] : vector<16xi32>, vector<16xi32> -> vector<16xi32>
        %add3A_134 = vector.broadcast %scan3A_113 : i32 to vector<16xi32>
        %add3A_135 = arith.addi %rev3A_133, %add3A_134 : vector<16xi32>
        %ge3A_136 = arith.constant 200 : i32
        %ge3A_137 = vector.broadcast %ge3A_136 : i32 to vector<16xi32>
        %ge3A_138 = arith.cmpi sge, %add3A_135, %ge3A_137 : vector<16xi32>
        %jit3A_139 = arith.constant -1 : i32
        %broadcast_in_dim3A_140 = vector.broadcast %jit3A_139 : i32 to vector<16xi32>
        %select_n3A_141 = arith.select %ge3A_138, %iota3A, %broadcast_in_dim3A_140 : vector<16xi1>, vector<16xi32>
        %reduce_max3A = arith.constant true
        %reduce_max3A_142 = vector.broadcast %reduce_max3A : i1 to vector<16xi1>
        %reduce_max3A_143 = arith.constant -2147483648 : i32
        %reduce_max3A_144 = vector.broadcast %reduce_max3A_143 : i32 to vector<16xi32>
        %reduce_max3A_145 = arith.xori %select_n3A_141, %reduce_max3A_144 : vector<16xi32>
        %reduce_max3A_146 = tpu.scan <max>, %reduce_max3A_145 masked %reduce_max3A_142 : vector<16xi32>, vector<16xi1> -> vector<16xi32>
        %reduce_max3A_147 = arith.xori %reduce_max3A_146, %reduce_max3A_144 : vector<16xi32>
        %reduce_max3A_148 = vector.extract %reduce_max3A_147[15] : i32 from vector<16xi32>
        %ge3A_149 = arith.constant 0 : i32
        %ge3A_150 = arith.cmpi sge, %reduce_max3A_148, %ge3A_149 : i32
        %eq3A = vector.broadcast %reduce_max3A_148 : i32 to vector<16xi32>
        %eq3A_151 = arith.cmpi eq, %iota3A, %eq3A : vector<16xi32>
        %jit3A_152 = arith.constant 0 : i32
        %broadcast_in_dim3A_153 = vector.broadcast %jit3A_152 : i32 to vector<16xi32>
        %select_n3A_154 = arith.select %eq3A_151, %add3A_135, %broadcast_in_dim3A_153 : vector<16xi1>, vector<16xi32>
        %reduce_max3A_155 = arith.constant true
        %reduce_max3A_156 = vector.broadcast %reduce_max3A_155 : i1 to vector<16xi1>
        %reduce_max3A_157 = arith.constant -2147483648 : i32
        %reduce_max3A_158 = vector.broadcast %reduce_max3A_157 : i32 to vector<16xi32>
        %reduce_max3A_159 = arith.xori %select_n3A_154, %reduce_max3A_158 : vector<16xi32>
        %reduce_max3A_160 = tpu.scan <max>, %reduce_max3A_159 masked %reduce_max3A_156 : vector<16xi32>, vector<16xi1> -> vector<16xi32>
        %reduce_max3A_161 = arith.xori %reduce_max3A_160, %reduce_max3A_158 : vector<16xi32>
        %reduce_max3A_162 = vector.extract %reduce_max3A_161[15] : i32 from vector<16xi32>
        %eq3A_163 = arith.constant 0 : i32
        %eq3A_164 = arith.cmpi eq, %scan3A_116, %eq3A_163 : i32
        %and3A_165 = arith.andi %ge3A_150, %eq3A_164 : i1
        %mul3A_166 = arith.constant 16 : i32
        %mul3A_167 = arith.muli %sub3A_118, %mul3A_166 : i32
        %add3A_168 = arith.addi %mul3A_167, %reduce_max3A_148 : i32
        %select_n3A_169 = arith.select %and3A_165, %add3A_168, %scan3A_114 : i32
        %select_n3A_170 = arith.select %and3A_165, %reduce_max3A_162, %scan3A_115 : i32
        %jit3A_171 = arith.constant 1 : i32
        %select_n3A_172 = arith.select %ge3A_150, %jit3A_171, %scan3A_116 : i32
        %reduce_sum3A = arith.constant true
        %reduce_sum3A_173 = vector.broadcast %reduce_sum3A : i1 to vector<16xi1>
        %reduce_sum3A_174 = tpu.scan <sum>, %get3A_122 masked %reduce_sum3A_173 : vector<16xi32>, vector<16xi1> -> vector<16xi32>
        %reduce_sum3A_175 = vector.extract %reduce_sum3A_174[15] : i32 from vector<16xi32>
        %add3A_176 = arith.addi %scan3A_113, %reduce_sum3A_175 : i32
        scf.yield %add3A_176, %select_n3A_169, %select_n3A_170, %select_n3A_172 : i32, i32, i32, i32
      }
      %scan3A_38 = arith.constant 257 : i32
      %min3A = arith.constant 4096 : i32
      %min3A_39 = arith.minsi %scan3A_37#2, %min3A : i32
      %add3A_40 = arith.constant 15 : i32
      %add3A_41 = arith.addi %min3A_39, %add3A_40 : i32
      %jit3A = arith.constant 16 : i32
      %div3A = arith.divsi %add3A_41, %jit3A : i32
      %sign3A = arith.constant 0 : i32
      %sign3A_42 = arith.cmpi sgt, %add3A_41, %sign3A : i32
      %sign3A_43 = arith.extui %sign3A_42 : i1 to i32
      %sign3A_44 = arith.constant 0 : i32
      %sign3A_45 = arith.cmpi slt, %add3A_41, %sign3A_44 : i32
      %sign3A_46 = arith.extui %sign3A_45 : i1 to i32
      %sign3A_47 = arith.subi %sign3A_43, %sign3A_46 : i32
      %sign3A_48 = arith.constant 0 : i32
      %sign3A_49 = arith.cmpi sgt, %jit3A, %sign3A_48 : i32
      %sign3A_50 = arith.extui %sign3A_49 : i1 to i32
      %sign3A_51 = arith.constant 0 : i32
      %sign3A_52 = arith.cmpi slt, %jit3A, %sign3A_51 : i32
      %sign3A_53 = arith.extui %sign3A_52 : i1 to i32
      %sign3A_54 = arith.subi %sign3A_50, %sign3A_53 : i32
      %ne3A = arith.cmpi ne, %sign3A_47, %sign3A_54 : i32
      %rem3A = arith.remsi %add3A_41, %jit3A : i32
      %ne3A_55 = arith.constant 0 : i32
      %ne3A_56 = arith.cmpi ne, %rem3A, %ne3A_55 : i32
      %and3A = arith.andi %ne3A, %ne3A_56 : i1
      %sub3A = arith.constant 1 : i32
      %sub3A_57 = arith.subi %div3A, %sub3A : i32
      %select_n3A = arith.select %and3A, %sub3A_57, %div3A : i32
      %broadcast_in_dim3A_58 = arith.constant 0 : i32
      %broadcast_in_dim3A_59 = vector.broadcast %broadcast_in_dim3A_58 : i32 to vector<16xi32>
      %scan3A_60 = arith.constant 0 : i32
      %scan3A_61 = arith.constant 1568 : i32
      %scan3A_62 = arith.addi %scan3A_60, %scan3A_61 : i32
      %scan3A_63 = arith.constant 1 : i32
      %scan3A_64 = scf.for %scan3A_112 = %scan3A_60 to %scan3A_62 step %scan3A_63 iter_args(%scan3A_113 = %broadcast_in_dim3A_59) -> (vector<16xi32>)  : i32 {
        %mul3A_114 = arith.constant 64 : i32
        %mul3A_115 = arith.muli %scan3A_112, %mul3A_114 : i32
        %add3A_116 = arith.constant 0 : i32
        %add3A_117 = arith.addi %mul3A_115, %add3A_116 : i32
        %get3A_118 = arith.index_cast %add3A_117 : i32 to index
        %get3A_119 = tpu.vector_load %arg4[%get3A_118] {strides = array<i32>} : memref<100352xf32, #tpu.memory_space<vmem>>, vector<16xf32>,
        %add3A_120 = arith.constant 1.000000e+00 : f32
        %add3A_121 = vector.broadcast %add3A_120 : f32 to vector<16xf32>
        %add3A_122 = arith.addf %get3A_119, %add3A_121 : vector<16xf32>
        %mul3A_123 = arith.constant 2.048000e+03 : f32
        %mul3A_124 = vector.broadcast %mul3A_123 : f32 to vector<16xf32>
        %mul3A_125 = arith.mulf %add3A_122, %mul3A_124 : vector<16xf32>
        %convert_element_type3A = arith.fptosi %mul3A_125 : vector<16xf32> to vector<16xi32>
        %jit3A_126 = arith.constant 0 : i32
        %jit3A_127 = arith.constant 4103 : i32
        %max3A = vector.broadcast %jit3A_126 : i32 to vector<16xi32>
        %max3A_128 = arith.maxsi %max3A, %convert_element_type3A : vector<16xi32>
        %min3A_129 = vector.broadcast %jit3A_127 : i32 to vector<16xi32>
        %min3A_130 = arith.minsi %min3A_129, %max3A_128 : vector<16xi32>
        %ge3A_131 = vector.broadcast %scan3A_37#1 : i32 to vector<16xi32>
        %ge3A_132 = arith.cmpi sge, %min3A_130, %ge3A_131 : vector<16xi32>
        %convert_element_type3A_133 = arith.extui %ge3A_132 : vector<16xi1> to vector<16xi32>
        %broadcast_in_dim3A_134 = arith.constant true
        %broadcast_in_dim3A_135 = vector.broadcast %broadcast_in_dim3A_134 : i1 to vector<16xi1>
        %masked_cumsum3A = tpu.scan <sum>, %convert_element_type3A_133 masked %broadcast_in_dim3A_135 : vector<16xi32>, vector<16xi1> -> vector<16xi32>
        %all_reduce_population_count3A = tpu.all_reduce %ge3A_132 {dim = 0 : i64, kind = #tpu.reduction_kind<sum>} : vector<16xi1> -> vector<16xi32>
        %mul3A_136 = arith.constant 64 : i32
        %mul3A_137 = arith.muli %scan3A_112, %mul3A_136 : i32
        %add3A_138 = arith.constant 16 : i32
        %add3A_139 = arith.addi %mul3A_137, %add3A_138 : i32
        %get3A_140 = arith.index_cast %add3A_139 : i32 to index
        %get3A_141 = tpu.vector_load %arg4[%get3A_140] {strides = array<i32>} : memref<100352xf32, #tpu.memory_space<vmem>>, vector<16xf32>,
        %add3A_142 = arith.constant 1.000000e+00 : f32
        %add3A_143 = vector.broadcast %add3A_142 : f32 to vector<16xf32>
        %add3A_144 = arith.addf %get3A_141, %add3A_143 : vector<16xf32>
        %mul3A_145 = arith.constant 2.048000e+03 : f32
        %mul3A_146 = vector.broadcast %mul3A_145 : f32 to vector<16xf32>
        %mul3A_147 = arith.mulf %add3A_144, %mul3A_146 : vector<16xf32>
        %convert_element_type3A_148 = arith.fptosi %mul3A_147 : vector<16xf32> to vector<16xi32>
        %jit3A_149 = arith.constant 0 : i32
        %jit3A_150 = arith.constant 4103 : i32
        %max3A_151 = vector.broadcast %jit3A_149 : i32 to vector<16xi32>
        %max3A_152 = arith.maxsi %max3A_151, %convert_element_type3A_148 : vector<16xi32>
        %min3A_153 = vector.broadcast %jit3A_150 : i32 to vector<16xi32>
        %min3A_154 = arith.minsi %min3A_153, %max3A_152 : vector<16xi32>
        %ge3A_155 = vector.broadcast %scan3A_37#1 : i32 to vector<16xi32>
        %ge3A_156 = arith.cmpi sge, %min3A_154, %ge3A_155 : vector<16xi32>
        %convert_element_type3A_157 = arith.extui %ge3A_156 : vector<16xi1> to vector<16xi32>
        %broadcast_in_dim3A_158 = arith.constant true
        %broadcast_in_dim3A_159 = vector.broadcast %broadcast_in_dim3A_158 : i1 to vector<16xi1>
        %masked_cumsum3A_160 = tpu.scan <sum>, %convert_element_type3A_157 masked %broadcast_in_dim3A_159 : vector<16xi32>, vector<16xi1> -> vector<16xi32>
        %all_reduce_population_count3A_161 = tpu.all_reduce %ge3A_156 {dim = 0 : i64, kind = #tpu.reduction_kind<sum>} : vector<16xi1> -> vector<16xi32>
        %mul3A_162 = arith.constant 64 : i32
        %mul3A_163 = arith.muli %scan3A_112, %mul3A_162 : i32
        %add3A_164 = arith.constant 32 : i32
        %add3A_165 = arith.addi %mul3A_163, %add3A_164 : i32
        %get3A_166 = arith.index_cast %add3A_165 : i32 to index
        %get3A_167 = tpu.vector_load %arg4[%get3A_166] {strides = array<i32>} : memref<100352xf32, #tpu.memory_space<vmem>>, vector<16xf32>,
        %add3A_168 = arith.constant 1.000000e+00 : f32
        %add3A_169 = vector.broadcast %add3A_168 : f32 to vector<16xf32>
        %add3A_170 = arith.addf %get3A_167, %add3A_169 : vector<16xf32>
        %mul3A_171 = arith.constant 2.048000e+03 : f32
        %mul3A_172 = vector.broadcast %mul3A_171 : f32 to vector<16xf32>
        %mul3A_173 = arith.mulf %add3A_170, %mul3A_172 : vector<16xf32>
        %convert_element_type3A_174 = arith.fptosi %mul3A_173 : vector<16xf32> to vector<16xi32>
        %jit3A_175 = arith.constant 0 : i32
        %jit3A_176 = arith.constant 4103 : i32
        %max3A_177 = vector.broadcast %jit3A_175 : i32 to vector<16xi32>
        %max3A_178 = arith.maxsi %max3A_177, %convert_element_type3A_174 : vector<16xi32>
        %min3A_179 = vector.broadcast %jit3A_176 : i32 to vector<16xi32>
        %min3A_180 = arith.minsi %min3A_179, %max3A_178 : vector<16xi32>
        %ge3A_181 = vector.broadcast %scan3A_37#1 : i32 to vector<16xi32>
        %ge3A_182 = arith.cmpi sge, %min3A_180, %ge3A_181 : vector<16xi32>
        %convert_element_type3A_183 = arith.extui %ge3A_182 : vector<16xi1> to vector<16xi32>
        %broadcast_in_dim3A_184 = arith.constant true
        %broadcast_in_dim3A_185 = vector.broadcast %broadcast_in_dim3A_184 : i1 to vector<16xi1>
        %masked_cumsum3A_186 = tpu.scan <sum>, %convert_element_type3A_183 masked %broadcast_in_dim3A_185 : vector<16xi32>, vector<16xi1> -> vector<16xi32>
        %all_reduce_population_count3A_187 = tpu.all_reduce %ge3A_182 {dim = 0 : i64, kind = #tpu.reduction_kind<sum>} : vector<16xi1> -> vector<16xi32>
        %mul3A_188 = arith.constant 64 : i32
        %mul3A_189 = arith.muli %scan3A_112, %mul3A_188 : i32
        %add3A_190 = arith.constant 48 : i32
        %add3A_191 = arith.addi %mul3A_189, %add3A_190 : i32
        %get3A_192 = arith.index_cast %add3A_191 : i32 to index
        %get3A_193 = tpu.vector_load %arg4[%get3A_192] {strides = array<i32>} : memref<100352xf32, #tpu.memory_space<vmem>>, vector<16xf32>,
        %add3A_194 = arith.constant 1.000000e+00 : f32
        %add3A_195 = vector.broadcast %add3A_194 : f32 to vector<16xf32>
        %add3A_196 = arith.addf %get3A_193, %add3A_195 : vector<16xf32>
        %mul3A_197 = arith.constant 2.048000e+03 : f32
        %mul3A_198 = vector.broadcast %mul3A_197 : f32 to vector<16xf32>
        %mul3A_199 = arith.mulf %add3A_196, %mul3A_198 : vector<16xf32>
        %convert_element_type3A_200 = arith.fptosi %mul3A_199 : vector<16xf32> to vector<16xi32>
        %jit3A_201 = arith.constant 0 : i32
        %jit3A_202 = arith.constant 4103 : i32
        %max3A_203 = vector.broadcast %jit3A_201 : i32 to vector<16xi32>
        %max3A_204 = arith.maxsi %max3A_203, %convert_element_type3A_200 : vector<16xi32>
        %min3A_205 = vector.broadcast %jit3A_202 : i32 to vector<16xi32>
        %min3A_206 = arith.minsi %min3A_205, %max3A_204 : vector<16xi32>
        %ge3A_207 = vector.broadcast %scan3A_37#1 : i32 to vector<16xi32>
        %ge3A_208 = arith.cmpi sge, %min3A_206, %ge3A_207 : vector<16xi32>
        %convert_element_type3A_209 = arith.extui %ge3A_208 : vector<16xi1> to vector<16xi32>
        %broadcast_in_dim3A_210 = arith.constant true
        %broadcast_in_dim3A_211 = vector.broadcast %broadcast_in_dim3A_210 : i1 to vector<16xi1>
        %masked_cumsum3A_212 = tpu.scan <sum>, %convert_element_type3A_209 masked %broadcast_in_dim3A_211 : vector<16xi32>, vector<16xi1> -> vector<16xi32>
        %all_reduce_population_count3A_213 = tpu.all_reduce %ge3A_208 {dim = 0 : i64, kind = #tpu.reduction_kind<sum>} : vector<16xi1> -> vector<16xi32>
        %mul3A_214 = arith.constant 64 : i32
        %mul3A_215 = arith.muli %scan3A_112, %mul3A_214 : i32
        %add3A_216 = arith.constant 0 : i32
        %add3A_217 = arith.addi %mul3A_215, %add3A_216 : i32
        %add3A_218 = arith.addi %scan3A_113, %masked_cumsum3A : vector<16xi32>
        %sub3A_219 = arith.constant 1 : i32
        %sub3A_220 = vector.broadcast %sub3A_219 : i32 to vector<16xi32>
        %sub3A_221 = arith.subi %add3A_218, %sub3A_220 : vector<16xi32>
        %min3A_222 = arith.constant 4095 : i32
        %min3A_223 = vector.broadcast %min3A_222 : i32 to vector<16xi32>
        %min3A_224 = arith.minsi %sub3A_221, %min3A_223 : vector<16xi32>
        tpu.vector_store_idx %arg6[%min3A_224], %get3A_119 masked %ge3A_132 : memref<4112xf32, #tpu.memory_space<vmem>>[vector<16xi32>], vector<16xf32>, vector<16xi1>
        %add3A_225 = vector.broadcast %add3A_217 : i32 to vector<16xi32>
        %add3A_226 = arith.addi %add3A_225, %iota3A : vector<16xi32>
        tpu.vector_store_idx %arg7[%min3A_224], %add3A_226 masked %ge3A_132 : memref<4112xi32, #tpu.memory_space<vmem>>[vector<16xi32>], vector<16xi32>, vector<16xi1>
        %add3A_227 = arith.addi %scan3A_113, %all_reduce_population_count3A : vector<16xi32>
        %mul3A_228 = arith.constant 64 : i32
        %mul3A_229 = arith.muli %scan3A_112, %mul3A_228 : i32
        %add3A_230 = arith.constant 16 : i32
        %add3A_231 = arith.addi %mul3A_229, %add3A_230 : i32
        %add3A_232 = arith.addi %add3A_227, %masked_cumsum3A_160 : vector<16xi32>
        %sub3A_233 = arith.constant 1 : i32
        %sub3A_234 = vector.broadcast %sub3A_233 : i32 to vector<16xi32>
        %sub3A_235 = arith.subi %add3A_232, %sub3A_234 : vector<16xi32>
        %min3A_236 = arith.constant 4095 : i32
        %min3A_237 = vector.broadcast %min3A_236 : i32 to vector<16xi32>
        %min3A_238 = arith.minsi %sub3A_235, %min3A_237 : vector<16xi32>
        tpu.vector_store_idx %arg6[%min3A_238], %get3A_141 masked %ge3A_156 : memref<4112xf32, #tpu.memory_space<vmem>>[vector<16xi32>], vector<16xf32>, vector<16xi1>
        %add3A_239 = vector.broadcast %add3A_231 : i32 to vector<16xi32>
        %add3A_240 = arith.addi %add3A_239, %iota3A : vector<16xi32>
        tpu.vector_store_idx %arg7[%min3A_238], %add3A_240 masked %ge3A_156 : memref<4112xi32, #tpu.memory_space<vmem>>[vector<16xi32>], vector<16xi32>, vector<16xi1>
        %add3A_241 = arith.addi %add3A_227, %all_reduce_population_count3A_161 : vector<16xi32>
        %mul3A_242 = arith.constant 64 : i32
        %mul3A_243 = arith.muli %scan3A_112, %mul3A_242 : i32
        %add3A_244 = arith.constant 32 : i32
        %add3A_245 = arith.addi %mul3A_243, %add3A_244 : i32
        %add3A_246 = arith.addi %add3A_241, %masked_cumsum3A_186 : vector<16xi32>
        %sub3A_247 = arith.constant 1 : i32
        %sub3A_248 = vector.broadcast %sub3A_247 : i32 to vector<16xi32>
        %sub3A_249 = arith.subi %add3A_246, %sub3A_248 : vector<16xi32>
        %min3A_250 = arith.constant 4095 : i32
        %min3A_251 = vector.broadcast %min3A_250 : i32 to vector<16xi32>
        %min3A_252 = arith.minsi %sub3A_249, %min3A_251 : vector<16xi32>
        tpu.vector_store_idx %arg6[%min3A_252], %get3A_167 masked %ge3A_182 : memref<4112xf32, #tpu.memory_space<vmem>>[vector<16xi32>], vector<16xf32>, vector<16xi1>
        %add3A_253 = vector.broadcast %add3A_245 : i32 to vector<16xi32>
        %add3A_254 = arith.addi %add3A_253, %iota3A : vector<16xi32>
        tpu.vector_store_idx %arg7[%min3A_252], %add3A_254 masked %ge3A_182 : memref<4112xi32, #tpu.memory_space<vmem>>[vector<16xi32>], vector<16xi32>, vector<16xi1>
        %add3A_255 = arith.addi %add3A_241, %all_reduce_population_count3A_187 : vector<16xi32>
        %mul3A_256 = arith.constant 64 : i32
        %mul3A_257 = arith.muli %scan3A_112, %mul3A_256 : i32
        %add3A_258 = arith.constant 48 : i32
        %add3A_259 = arith.addi %mul3A_257, %add3A_258 : i32
        %add3A_260 = arith.addi %add3A_255, %masked_cumsum3A_212 : vector<16xi32>
        %sub3A_261 = arith.constant 1 : i32
        %sub3A_262 = vector.broadcast %sub3A_261 : i32 to vector<16xi32>
        %sub3A_263 = arith.subi %add3A_260, %sub3A_262 : vector<16xi32>
        %min3A_264 = arith.constant 4095 : i32
        %min3A_265 = vector.broadcast %min3A_264 : i32 to vector<16xi32>
        %min3A_266 = arith.minsi %sub3A_263, %min3A_265 : vector<16xi32>
        tpu.vector_store_idx %arg6[%min3A_266], %get3A_193 masked %ge3A_208 : memref<4112xf32, #tpu.memory_space<vmem>>[vector<16xi32>], vector<16xf32>, vector<16xi1>
        %add3A_267 = vector.broadcast %add3A_259 : i32 to vector<16xi32>
        %add3A_268 = arith.addi %add3A_267, %iota3A : vector<16xi32>
        tpu.vector_store_idx %arg7[%min3A_266], %add3A_268 masked %ge3A_208 : memref<4112xi32, #tpu.memory_space<vmem>>[vector<16xi32>], vector<16xi32>, vector<16xi1>
        %add3A_269 = arith.addi %add3A_255, %all_reduce_population_count3A_213 : vector<16xi32>
        scf.yield %add3A_269 : vector<16xi32>
      }
      %scan3A_65 = arith.constant 1568 : i32
      %sub3A_66 = arith.constant 1 : i32
      %sub3A_67 = arith.subi %select_n3A, %sub3A_66 : i32
      %mul3A_68 = arith.constant 16 : i32
      %mul3A_69 = arith.muli %sub3A_67, %mul3A_68 : i32
      %add3A_70 = vector.broadcast %mul3A_69 : i32 to vector<16xi32>
      %add3A_71 = arith.addi %add3A_70, %iota3A : vector<16xi32>
      %get3A = arith.index_cast %mul3A_69 : i32 to index
      %get3A_72 = tpu.vector_load %arg6[%get3A] {strides = array<i32>} : memref<4112xf32, #tpu.memory_space<vmem>>, vector<16xf32>,
      %get3A_73 = arith.index_cast %mul3A_69 : i32 to index
      %get3A_74 = tpu.vector_load %arg7[%get3A_73] {strides = array<i32>} : memref<4112xi32, #tpu.memory_space<vmem>>, vector<16xi32>,
      %ge3A = vector.broadcast %min3A_39 : i32 to vector<16xi32>
      %ge3A_75 = arith.cmpi sge, %add3A_71, %ge3A : vector<16xi32>
      %jit3A_76 = arith.constant -3.000000e+00 : f32
      %broadcast_in_dim3A_77 = vector.broadcast %jit3A_76 : f32 to vector<16xf32>
      %select_n3A_78 = arith.select %ge3A_75, %broadcast_in_dim3A_77, %get3A_72 : vector<16xi1>, vector<16xf32>
      %swap3A = arith.index_cast %mul3A_69 : i32 to index
      %swap3A_79 = tpu.vector_load %arg6[%swap3A] {strides = array<i32>} : memref<4112xf32, #tpu.memory_space<vmem>>, vector<16xf32>,
      tpu.vector_store %arg6[%swap3A], %select_n3A_78 {strides = array<i32>} : memref<4112xf32, #tpu.memory_space<vmem>>, vector<16xf32>,
      %ge3A_80 = vector.broadcast %min3A_39 : i32 to vector<16xi32>
      %ge3A_81 = arith.cmpi sge, %add3A_71, %ge3A_80 : vector<16xi32>
      %jit3A_82 = arith.constant 2147483647 : i32
      %broadcast_in_dim3A_83 = vector.broadcast %jit3A_82 : i32 to vector<16xi32>
      %select_n3A_84 = arith.select %ge3A_81, %broadcast_in_dim3A_83, %get3A_74 : vector<16xi1>, vector<16xi32>
      %swap3A_85 = arith.index_cast %mul3A_69 : i32 to index
      %swap3A_86 = tpu.vector_load %arg7[%swap3A_85] {strides = array<i32>} : memref<4112xi32, #tpu.memory_space<vmem>>, vector<16xi32>,
      tpu.vector_store %arg7[%swap3A_85], %select_n3A_84 {strides = array<i32>} : memref<4112xi32, #tpu.memory_space<vmem>>, vector<16xi32>,
      %broadcast_in_dim3A_87 = arith.constant -3.000000e+00 : f32
      %broadcast_in_dim3A_88 = vector.broadcast %broadcast_in_dim3A_87 : f32 to vector<16xf32>
      %mul3A_89 = arith.constant 16 : i32
      %mul3A_90 = arith.muli %select_n3A, %mul3A_89 : i32
      %swap3A_91 = arith.index_cast %mul3A_90 : i32 to index
      %swap3A_92 = tpu.vector_load %arg6[%swap3A_91] {strides = array<i32>} : memref<4112xf32, #tpu.memory_space<vmem>>, vector<16xf32>,
      tpu.vector_store %arg6[%swap3A_91], %broadcast_in_dim3A_88 {strides = array<i32>} : memref<4112xf32, #tpu.memory_space<vmem>>, vector<16xf32>,
      %broadcast_in_dim3A_93 = arith.constant 2147483647 : i32
      %broadcast_in_dim3A_94 = vector.broadcast %broadcast_in_dim3A_93 : i32 to vector<16xi32>
      %mul3A_95 = arith.constant 16 : i32
      %mul3A_96 = arith.muli %select_n3A, %mul3A_95 : i32
      %swap3A_97 = arith.index_cast %mul3A_96 : i32 to index
      %swap3A_98 = tpu.vector_load %arg7[%swap3A_97] {strides = array<i32>} : memref<4112xi32, #tpu.memory_space<vmem>>, vector<16xi32>,
      tpu.vector_store %arg7[%swap3A_97], %broadcast_in_dim3A_94 {strides = array<i32>} : memref<4112xi32, #tpu.memory_space<vmem>>, vector<16xi32>,
      %broadcast_in_dim3A_99 = arith.constant 0 : i32
      %broadcast_in_dim3A_100 = vector.broadcast %broadcast_in_dim3A_99 : i32 to vector<16xi32>
      %scan3A_101 = arith.constant 1.000000e+09 : f32
      %scan3A_102 = arith.constant -1 : i32
      %scan3A_103 = arith.constant 0 : i32
      %scan3A_104 = arith.constant 208 : i32
      %scan3A_105 = arith.addi %scan3A_103, %scan3A_104 : i32
      %scan3A_106 = arith.constant 1 : i32
      %scan3A_107:3 = scf.for %scan3A_112 = %scan3A_103 to %scan3A_105 step %scan3A_106 iter_args(%scan3A_113 = %broadcast_in_dim3A_100, %scan3A_114 = %scan3A_101, %scan3A_115 = %scan3A_102) -> (vector<16xi32>, f32, i32)  : i32 {
        %add3A_116 = arith.constant 1 : i32
        %add3A_117 = arith.addi %select_n3A, %add3A_116 : i32
        %jit3A_118 = arith.constant 2 : i32
        %div3A_119 = arith.divsi %add3A_117, %jit3A_118 : i32
        %sign3A_120 = arith.constant 0 : i32
        %sign3A_121 = arith.cmpi sgt, %add3A_117, %sign3A_120 : i32
        %sign3A_122 = arith.extui %sign3A_121 : i1 to i32
        %sign3A_123 = arith.constant 0 : i32
        %sign3A_124 = arith.cmpi slt, %add3A_117, %sign3A_123 : i32
        %sign3A_125 = arith.extui %sign3A_124 : i1 to i32
        %sign3A_126 = arith.subi %sign3A_122, %sign3A_125 : i32
        %sign3A_127 = arith.constant 0 : i32
        %sign3A_128 = arith.cmpi sgt, %jit3A_118, %sign3A_127 : i32
        %sign3A_129 = arith.extui %sign3A_128 : i1 to i32
        %sign3A_130 = arith.constant 0 : i32
        %sign3A_131 = arith.cmpi slt, %jit3A_118, %sign3A_130 : i32
        %sign3A_132 = arith.extui %sign3A_131 : i1 to i32
        %sign3A_133 = arith.subi %sign3A_129, %sign3A_132 : i32
        %ne3A_134 = arith.cmpi ne, %sign3A_126, %sign3A_133 : i32
        %rem3A_135 = arith.remsi %add3A_117, %jit3A_118 : i32
        %ne3A_136 = arith.constant 0 : i32
        %ne3A_137 = arith.cmpi ne, %rem3A_135, %ne3A_136 : i32
        %and3A_138 = arith.andi %ne3A_134, %ne3A_137 : i1
        %sub3A_139 = arith.constant 1 : i32
        %sub3A_140 = arith.subi %div3A_119, %sub3A_139 : i32
        %select_n3A_141 = arith.select %and3A_138, %sub3A_140, %div3A_119 : i32
        %broadcast_in_dim3A_142 = arith.constant -4.000000e+00 : f32
        %broadcast_in_dim3A_143 = vector.broadcast %broadcast_in_dim3A_142 : f32 to vector<16xf32>
        %broadcast_in_dim3A_144 = arith.constant 2147483647 : i32
        %broadcast_in_dim3A_145 = vector.broadcast %broadcast_in_dim3A_144 : i32 to vector<16xi32>
        %while3A = arith.constant 0 : i32
        %while3A_146 = arith.subi %select_n3A_141, %while3A : i32
        %while3A_147 = arith.addi %while3A, %while3A_146 : i32
        %while3A_148 = arith.constant 1 : i32
        %while3A_149 = arith.divsi %while3A_146, %while3A_148 : i32
        %while3A_150 = arith.muli %while3A_149, %while3A_148 : i32
        %while3A_151 = arith.addi %while3A, %while3A_150 : i32
        %while3A_152 = arith.constant 1 : i32
        %while3A_153:2 = scf.for %while3A_217 = %while3A to %while3A_151 step %while3A_152 iter_args(%while3A_218 = %broadcast_in_dim3A_143, %while3A_219 = %broadcast_in_dim3A_145) -> (vector<16xf32>, vector<16xi32>)  : i32 {
          %mul3A_220 = arith.constant 2 : i32
          %mul3A_221 = arith.muli %mul3A_220, %while3A_217 : i32
          %add3A_222 = arith.constant 0 : i32
          %add3A_223 = arith.addi %mul3A_221, %add3A_222 : i32
          %mul3A_224 = arith.constant 16 : i32
          %mul3A_225 = arith.muli %add3A_223, %mul3A_224 : i32
          %get3A_226 = arith.index_cast %mul3A_225 : i32 to index
          %get3A_227 = tpu.vector_load %arg6[%get3A_226] {strides = array<i32>} : memref<4112xf32, #tpu.memory_space<vmem>>, vector<16xf32>,
          %get3A_228 = arith.index_cast %mul3A_225 : i32 to index
          %get3A_229 = tpu.vector_load %arg7[%get3A_228] {strides = array<i32>} : memref<4112xi32, #tpu.memory_space<vmem>>, vector<16xi32>,
          %lt3A_230 = vector.broadcast %scan3A_114 : f32 to vector<16xf32>
          %lt3A_231 = arith.cmpf olt, %get3A_227, %lt3A_230 : vector<16xf32>
          %eq3A_232 = vector.broadcast %scan3A_114 : f32 to vector<16xf32>
          %eq3A_233 = arith.cmpf oeq, %get3A_227, %eq3A_232 : vector<16xf32>
          %gt3A = vector.broadcast %scan3A_115 : i32 to vector<16xi32>
          %gt3A_234 = arith.cmpi sgt, %get3A_229, %gt3A : vector<16xi32>
          %and3A_235 = arith.andi %eq3A_233, %gt3A_234 : vector<16xi1>
          %or3A = arith.ori %lt3A_231, %and3A_235 : vector<16xi1>
          %gt3A_236 = arith.cmpf ogt, %get3A_227, %while3A_218 : vector<16xf32>
          %and3A_237 = arith.andi %or3A, %gt3A_236 : vector<16xi1>
          %eq3A_238 = arith.cmpf oeq, %get3A_227, %while3A_218 : vector<16xf32>
          %and3A_239 = arith.andi %or3A, %eq3A_238 : vector<16xi1>
          %select_n3A_240 = arith.select %and3A_237, %get3A_227, %while3A_218 : vector<16xi1>, vector<16xf32>
          %min3A_241 = arith.minsi %while3A_219, %get3A_229 : vector<16xi32>
          %select_n3A_242 = arith.select %and3A_239, %min3A_241, %while3A_219 : vector<16xi1>, vector<16xi32>
          %select_n3A_243 = arith.select %and3A_237, %get3A_229, %select_n3A_242 : vector<16xi1>, vector<16xi32>
          %mul3A_244 = arith.constant 2 : i32
          %mul3A_245 = arith.muli %mul3A_244, %while3A_217 : i32
          %add3A_246 = arith.constant 1 : i32
          %add3A_247 = arith.addi %mul3A_245, %add3A_246 : i32
          %mul3A_248 = arith.constant 16 : i32
          %mul3A_249 = arith.muli %add3A_247, %mul3A_248 : i32
          %get3A_250 = arith.index_cast %mul3A_249 : i32 to index
          %get3A_251 = tpu.vector_load %arg6[%get3A_250] {strides = array<i32>} : memref<4112xf32, #tpu.memory_space<vmem>>, vector<16xf32>,
          %get3A_252 = arith.index_cast %mul3A_249 : i32 to index
          %get3A_253 = tpu.vector_load %arg7[%get3A_252] {strides = array<i32>} : memref<4112xi32, #tpu.memory_space<vmem>>, vector<16xi32>,
          %lt3A_254 = vector.broadcast %scan3A_114 : f32 to vector<16xf32>
          %lt3A_255 = arith.cmpf olt, %get3A_251, %lt3A_254 : vector<16xf32>
          %eq3A_256 = vector.broadcast %scan3A_114 : f32 to vector<16xf32>
          %eq3A_257 = arith.cmpf oeq, %get3A_251, %eq3A_256 : vector<16xf32>
          %gt3A_258 = vector.broadcast %scan3A_115 : i32 to vector<16xi32>
          %gt3A_259 = arith.cmpi sgt, %get3A_253, %gt3A_258 : vector<16xi32>
          %and3A_260 = arith.andi %eq3A_257, %gt3A_259 : vector<16xi1>
          %or3A_261 = arith.ori %lt3A_255, %and3A_260 : vector<16xi1>
          %gt3A_262 = arith.cmpf ogt, %get3A_251, %select_n3A_240 : vector<16xf32>
          %and3A_263 = arith.andi %or3A_261, %gt3A_262 : vector<16xi1>
          %eq3A_264 = arith.cmpf oeq, %get3A_251, %select_n3A_240 : vector<16xf32>
          %and3A_265 = arith.andi %or3A_261, %eq3A_264 : vector<16xi1>
          %select_n3A_266 = arith.select %and3A_263, %get3A_251, %select_n3A_240 : vector<16xi1>, vector<16xf32>
          %min3A_267 = arith.minsi %select_n3A_243, %get3A_253 : vector<16xi32>
          %select_n3A_268 = arith.select %and3A_265, %min3A_267, %select_n3A_243 : vector<16xi1>, vector<16xi32>
          %select_n3A_269 = arith.select %and3A_263, %get3A_253, %select_n3A_268 : vector<16xi1>, vector<16xi32>
          scf.yield %select_n3A_266, %select_n3A_269 : vector<16xf32>, vector<16xi32>
        }
        %while3A_154 = arith.constant 1 : i32
        %while3A_155:2 = scf.for %while3A_217 = %while3A_151 to %while3A_147 step %while3A_154 iter_args(%while3A_218 = %while3A_153#0, %while3A_219 = %while3A_153#1) -> (vector<16xf32>, vector<16xi32>)  : i32 {
          %mul3A_220 = arith.constant 2 : i32
          %mul3A_221 = arith.muli %mul3A_220, %while3A_217 : i32
          %add3A_222 = arith.constant 0 : i32
          %add3A_223 = arith.addi %mul3A_221, %add3A_222 : i32
          %mul3A_224 = arith.constant 16 : i32
          %mul3A_225 = arith.muli %add3A_223, %mul3A_224 : i32
          %get3A_226 = arith.index_cast %mul3A_225 : i32 to index
          %get3A_227 = tpu.vector_load %arg6[%get3A_226] {strides = array<i32>} : memref<4112xf32, #tpu.memory_space<vmem>>, vector<16xf32>,
          %get3A_228 = arith.index_cast %mul3A_225 : i32 to index
          %get3A_229 = tpu.vector_load %arg7[%get3A_228] {strides = array<i32>} : memref<4112xi32, #tpu.memory_space<vmem>>, vector<16xi32>,
          %lt3A_230 = vector.broadcast %scan3A_114 : f32 to vector<16xf32>
          %lt3A_231 = arith.cmpf olt, %get3A_227, %lt3A_230 : vector<16xf32>
          %eq3A_232 = vector.broadcast %scan3A_114 : f32 to vector<16xf32>
          %eq3A_233 = arith.cmpf oeq, %get3A_227, %eq3A_232 : vector<16xf32>
          %gt3A = vector.broadcast %scan3A_115 : i32 to vector<16xi32>
          %gt3A_234 = arith.cmpi sgt, %get3A_229, %gt3A : vector<16xi32>
          %and3A_235 = arith.andi %eq3A_233, %gt3A_234 : vector<16xi1>
          %or3A = arith.ori %lt3A_231, %and3A_235 : vector<16xi1>
          %gt3A_236 = arith.cmpf ogt, %get3A_227, %while3A_218 : vector<16xf32>
          %and3A_237 = arith.andi %or3A, %gt3A_236 : vector<16xi1>
          %eq3A_238 = arith.cmpf oeq, %get3A_227, %while3A_218 : vector<16xf32>
          %and3A_239 = arith.andi %or3A, %eq3A_238 : vector<16xi1>
          %select_n3A_240 = arith.select %and3A_237, %get3A_227, %while3A_218 : vector<16xi1>, vector<16xf32>
          %min3A_241 = arith.minsi %while3A_219, %get3A_229 : vector<16xi32>
          %select_n3A_242 = arith.select %and3A_239, %min3A_241, %while3A_219 : vector<16xi1>, vector<16xi32>
          %select_n3A_243 = arith.select %and3A_237, %get3A_229, %select_n3A_242 : vector<16xi1>, vector<16xi32>
          %mul3A_244 = arith.constant 2 : i32
          %mul3A_245 = arith.muli %mul3A_244, %while3A_217 : i32
          %add3A_246 = arith.constant 1 : i32
          %add3A_247 = arith.addi %mul3A_245, %add3A_246 : i32
          %mul3A_248 = arith.constant 16 : i32
          %mul3A_249 = arith.muli %add3A_247, %mul3A_248 : i32
          %get3A_250 = arith.index_cast %mul3A_249 : i32 to index
          %get3A_251 = tpu.vector_load %arg6[%get3A_250] {strides = array<i32>} : memref<4112xf32, #tpu.memory_space<vmem>>, vector<16xf32>,
          %get3A_252 = arith.index_cast %mul3A_249 : i32 to index
          %get3A_253 = tpu.vector_load %arg7[%get3A_252] {strides = array<i32>} : memref<4112xi32, #tpu.memory_space<vmem>>, vector<16xi32>,
          %lt3A_254 = vector.broadcast %scan3A_114 : f32 to vector<16xf32>
          %lt3A_255 = arith.cmpf olt, %get3A_251, %lt3A_254 : vector<16xf32>
          %eq3A_256 = vector.broadcast %scan3A_114 : f32 to vector<16xf32>
          %eq3A_257 = arith.cmpf oeq, %get3A_251, %eq3A_256 : vector<16xf32>
          %gt3A_258 = vector.broadcast %scan3A_115 : i32 to vector<16xi32>
          %gt3A_259 = arith.cmpi sgt, %get3A_253, %gt3A_258 : vector<16xi32>
          %and3A_260 = arith.andi %eq3A_257, %gt3A_259 : vector<16xi1>
          %or3A_261 = arith.ori %lt3A_255, %and3A_260 : vector<16xi1>
          %gt3A_262 = arith.cmpf ogt, %get3A_251, %select_n3A_240 : vector<16xf32>
          %and3A_263 = arith.andi %or3A_261, %gt3A_262 : vector<16xi1>
          %eq3A_264 = arith.cmpf oeq, %get3A_251, %select_n3A_240 : vector<16xf32>
          %and3A_265 = arith.andi %or3A_261, %eq3A_264 : vector<16xi1>
          %select_n3A_266 = arith.select %and3A_263, %get3A_251, %select_n3A_240 : vector<16xi1>, vector<16xf32>
          %min3A_267 = arith.minsi %select_n3A_243, %get3A_253 : vector<16xi32>
          %select_n3A_268 = arith.select %and3A_265, %min3A_267, %select_n3A_243 : vector<16xi1>, vector<16xi32>
          %select_n3A_269 = arith.select %and3A_263, %get3A_253, %select_n3A_268 : vector<16xi1>, vector<16xi32>
          scf.yield %select_n3A_266, %select_n3A_269 : vector<16xf32>, vector<16xi32>
        }
        %reduce_max3A = arith.constant true
        %reduce_max3A_156 = vector.broadcast %reduce_max3A : i1 to vector<16xi1>
        %reduce_max3A_157 = tpu.scan <max>, %while3A_155#0 masked %reduce_max3A_156 : vector<16xf32>, vector<16xi1> -> vector<16xf32>
        %reduce_max3A_158 = vector.extract %reduce_max3A_157[15] : f32 from vector<16xf32>
        %eq3A = vector.broadcast %reduce_max3A_158 : f32 to vector<16xf32>
        %eq3A_159 = arith.cmpf oeq, %while3A_155#0, %eq3A : vector<16xf32>
        %jit3A_160 = arith.constant 2147483647 : i32
        %broadcast_in_dim3A_161 = vector.broadcast %jit3A_160 : i32 to vector<16xi32>
        %select_n3A_162 = arith.select %eq3A_159, %while3A_155#1, %broadcast_in_dim3A_161 : vector<16xi1>, vector<16xi32>
        %reduce_min3A = arith.constant true
        %reduce_min3A_163 = vector.broadcast %reduce_min3A : i1 to vector<16xi1>
        %reduce_min3A_164 = arith.constant -2147483648 : i32
        %reduce_min3A_165 = vector.broadcast %reduce_min3A_164 : i32 to vector<16xi32>
        %reduce_min3A_166 = arith.xori %select_n3A_162, %reduce_min3A_165 : vector<16xi32>
        %reduce_min3A_167 = tpu.scan <min>, %reduce_min3A_166 masked %reduce_min3A_163 : vector<16xi32>, vector<16xi1> -> vector<16xi32>
        %reduce_min3A_168 = arith.xori %reduce_min3A_167, %reduce_min3A_165 : vector<16xi32>
        %reduce_min3A_169 = vector.extract %reduce_min3A_168[15] : i32 from vector<16xi32>
        %jit3A_170 = arith.constant 16 : i32
        %eq3A_171 = arith.constant 0 : i32
        %eq3A_172 = arith.cmpi eq, %jit3A_170, %eq3A_171 : i32
        %jit3A_173 = arith.constant 1 : i32
        %select_n3A_174 = arith.select %eq3A_172, %jit3A_173, %jit3A_170 : i32
        %rem3A_175 = arith.remsi %scan3A_112, %select_n3A_174 : i32
        %ne3A_176 = arith.constant 0 : i32
        %ne3A_177 = arith.cmpi ne, %rem3A_175, %ne3A_176 : i32
        %lt3A = arith.constant 0 : i32
        %lt3A_178 = arith.cmpi slt, %rem3A_175, %lt3A : i32
        %lt3A_179 = arith.constant 0 : i32
        %lt3A_180 = arith.cmpi slt, %select_n3A_174, %lt3A_179 : i32
        %ne3A_181 = arith.xori %lt3A_178, %lt3A_180 : i1
        %and3A_182 = arith.andi %ne3A_181, %ne3A_177 : i1
        %add3A_183 = arith.addi %rem3A_175, %select_n3A_174 : i32
        %select_n3A_184 = arith.select %and3A_182, %add3A_183, %rem3A_175 : i32
        %eq3A_185 = vector.broadcast %select_n3A_184 : i32 to vector<16xi32>
        %eq3A_186 = arith.cmpi eq, %iota3A, %eq3A_185 : vector<16xi32>
        %broadcast_in_dim3A_187 = vector.broadcast %reduce_min3A_169 : i32 to vector<16xi32>
        %select_n3A_188 = arith.select %eq3A_186, %broadcast_in_dim3A_187, %scan3A_113 : vector<16xi1>, vector<16xi32>
        %jit3A_189 = arith.constant 16 : i32
        %div3A_190 = arith.divsi %scan3A_112, %jit3A_189 : i32
        %sign3A_191 = arith.constant 0 : i32
        %sign3A_192 = arith.cmpi sgt, %scan3A_112, %sign3A_191 : i32
        %sign3A_193 = arith.extui %sign3A_192 : i1 to i32
        %sign3A_194 = arith.constant 0 : i32
        %sign3A_195 = arith.cmpi slt, %scan3A_112, %sign3A_194 : i32
        %sign3A_196 = arith.extui %sign3A_195 : i1 to i32
        %sign3A_197 = arith.subi %sign3A_193, %sign3A_196 : i32
        %sign3A_198 = arith.constant 0 : i32
        %sign3A_199 = arith.cmpi sgt, %jit3A_189, %sign3A_198 : i32
        %sign3A_200 = arith.extui %sign3A_199 : i1 to i32
        %sign3A_201 = arith.constant 0 : i32
        %sign3A_202 = arith.cmpi slt, %jit3A_189, %sign3A_201 : i32
        %sign3A_203 = arith.extui %sign3A_202 : i1 to i32
        %sign3A_204 = arith.subi %sign3A_200, %sign3A_203 : i32
        %ne3A_205 = arith.cmpi ne, %sign3A_197, %sign3A_204 : i32
        %rem3A_206 = arith.remsi %scan3A_112, %jit3A_189 : i32
        %ne3A_207 = arith.constant 0 : i32
        %ne3A_208 = arith.cmpi ne, %rem3A_206, %ne3A_207 : i32
        %and3A_209 = arith.andi %ne3A_205, %ne3A_208 : i1
        %sub3A_210 = arith.constant 1 : i32
        %sub3A_211 = arith.subi %div3A_190, %sub3A_210 : i32
        %select_n3A_212 = arith.select %and3A_209, %sub3A_211, %div3A_190 : i32
        %mul3A_213 = arith.constant 16 : i32
        %mul3A_214 = arith.muli %select_n3A_212, %mul3A_213 : i32
        %swap3A_215 = arith.index_cast %mul3A_214 : i32 to index
        %swap3A_216 = tpu.vector_load %arg8[%swap3A_215] {strides = array<i32>} : memref<208xi32, #tpu.memory_space<vmem>>, vector<16xi32>,
        tpu.vector_store %arg8[%swap3A_215], %select_n3A_188 {strides = array<i32>} : memref<208xi32, #tpu.memory_space<vmem>>, vector<16xi32>,
        scf.yield %select_n3A_188, %reduce_max3A_158, %reduce_min3A_169 : vector<16xi32>, f32, i32
      }
      %scan3A_108 = arith.constant 208 : i32
      %mul3A_109 = arith.constant 208 : i32
      %mul3A_110 = arith.muli %add3A_12, %mul3A_109 : i32
      "tpu.region"() ({
        %run_scoped3A = tpu.sem_alloc : memref<!tpu.dma_semaphore, #tpu.memory_space<semaphore_mem>>
        %dma_start3A = tpu.memref_slice %arg3[%mul3A_110] : memref<212992xi32, #tpu.memory_space<hbm>> -> memref<208xi32, #tpu.memory_space<hbm>>
        %dma_start3A_112 = tpu.memref_slice %arg3[%mul3A_110] : memref<212992xi32, #tpu.memory_space<hbm>> -> memref<208xi32, #tpu.memory_space<hbm>>
        tpu.enqueue_dma source(%arg8 : memref<208xi32, #tpu.memory_space<vmem>>) target(%dma_start3A_112 : memref<208xi32, #tpu.memory_space<hbm>>) target_semaphore(%run_scoped3A : memref<!tpu.dma_semaphore, #tpu.memory_space<semaphore_mem>>)
        %dma_wait3A = tpu.memref_slice %arg3[%mul3A_110] : memref<212992xi32, #tpu.memory_space<hbm>> -> memref<208xi32, #tpu.memory_space<hbm>>
        %dma_wait3A_113 = tpu.memref_slice %arg3[%mul3A_110] : memref<212992xi32, #tpu.memory_space<hbm>> -> memref<208xi32, #tpu.memory_space<hbm>>
        tpu.wait_dma2 semaphore(%run_scoped3A : memref<!tpu.dma_semaphore, #tpu.memory_space<semaphore_mem>>) src(%arg8 : memref<208xi32, #tpu.memory_space<vmem>>) dst(%dma_wait3A_113 : memref<208xi32, #tpu.memory_space<hbm>>)
        tpu.yield
      }) : () -> ()
      %scan3A_111 = arith.constant 0 : i32
      scf.yield %scan3A_111 : i32
    }
    %scan3A_7 = arith.constant 32 : i32
    return
  }
}

module attributes {stable_mosaic.version = 14 : i64} {
  func.func @_w_body(%arg0: i32, %arg1: i32, %arg2: memref<256x128xf32, #tpu.memory_space<vmem>>, %arg3: memref<512x128xf32, #tpu.memory_space<vmem>>, %arg4: memref<256x512xf32, #tpu.memory_space<vmem>>) attributes {dimension_semantics = [#tpu.dimension_semantics<arbitrary>, #tpu.dimension_semantics<arbitrary>], iteration_bounds = array<i64: 196, 4>, scalar_prefetch = 0 : i64, scratch_operands = 0 : i64, tpu.core_type = #tpu.core_type<tc>, window_params = [{transform_indices = @transform_0, window_bounds = array<i64: 256, 128>}, {transform_indices = @transform_1, window_bounds = array<i64: 512, 128>}, {transform_indices = @transform_2, window_bounds = array<i64: 256, 512>}]} {
    %get3A = arith.constant 0 : index
    %get3A_0 = arith.constant 0 : index
    %get3A_1 = vector.load %arg2[%get3A, %get3A_0] : memref<256x128xf32, #tpu.memory_space<vmem>>, vector<256x128xf32>
    %get3A_2 = arith.constant 0 : index
    %get3A_3 = arith.constant 0 : index
    %get3A_4 = vector.load %arg3[%get3A_2, %get3A_3] : memref<512x128xf32, #tpu.memory_space<vmem>>, vector<512x128xf32>
    %dot_general3A = arith.constant dense<0.000000e+00> : vector<256x512xf32>
    %dot_general3A_5 = tpu.matmul %get3A_1, %get3A_4, %dot_general3A {dimension_numbers = #tpu.dot_dimension_numbers<[1], [1], [0], [0], [0, 0, 1, 0], [], []>, transpose_lhs_hint = false} : vector<256x128xf32>, vector<512x128xf32>, vector<256x512xf32> -> vector<256x512xf32>
    %mul3A = arith.constant 512 : i32
    %mul3A_6 = arith.muli %arg0, %mul3A : i32
    %iota3A = tpu.iota {dimensions = array<i32: 1>} : vector<256x512xi32>
    %add3A = vector.broadcast %mul3A_6 : i32 to vector<256x512xi32>
    %add3A_7 = arith.addi %add3A, %iota3A : vector<256x512xi32>
    %lt3A = arith.constant 100000 : i32
    %lt3A_8 = vector.broadcast %lt3A : i32 to vector<256x512xi32>
    %lt3A_9 = arith.cmpi slt, %add3A_7, %lt3A_8 : vector<256x512xi32>
    %jit3A = arith.constant -2.000000e+00 : f32
    %broadcast_in_dim3A = vector.broadcast %jit3A : f32 to vector<256x512xf32>
    %select_n3A = arith.select %lt3A_9, %dot_general3A_5, %broadcast_in_dim3A : vector<256x512xi1>, vector<256x512xf32>
    %swap3A = arith.constant 0 : index
    %swap3A_10 = arith.constant 0 : index
    %swap3A_11 = vector.load %arg4[%swap3A, %swap3A_10] : memref<256x512xf32, #tpu.memory_space<vmem>>, vector<256x512xf32>
    tpu.vector_store %arg4[%swap3A, %swap3A_10], %select_n3A {strides = array<i32>} : memref<256x512xf32, #tpu.memory_space<vmem>>, vector<256x512xf32>,
    return
  }
  func.func @transform_0(%arg0: i32, %arg1: i32) -> (i32, i32) {
    %c0_i32 = arith.constant 0 : i32
    %c0_i32_0 = arith.constant 0 : i32
    return %arg1, %c0_i32 : i32, i32
  }
  func.func @transform_1(%arg0: i32, %arg1: i32) -> (i32, i32) {
    %c0_i32 = arith.constant 0 : i32
    %c0_i32_0 = arith.constant 0 : i32
    return %arg0, %c0_i32 : i32, i32
  }
  func.func @transform_2(%arg0: i32, %arg1: i32) -> (i32, i32) {
    %c0_i32 = arith.constant 0 : i32
    return %arg1, %arg0 : i32, i32
  }
}

</mosaic_0001>

<sc_bundles>
// kernel: gather_offload_async_start
scs
__scs_entry_jumppad:
0x0: {  	(pc) =	sbr.rel $0x88, $3  }
0x1: {  	(tag) =	ssettag $0x0;
	lr =	simm.s32 $0x1  }
0x2: {  	[smem:$0x3F9C] =	sst lr;
	_ =	strace $0xD0000000  }
0x3: {  	_ = 	snop  }
0x4: {  	_ = 	snop  }
0x5: {  	_ = 	snop  }
0x6: {  	_ = 	snop  }
0x7: {  	_ = 	snop  }
__scs_overlays_trampoline_lowered:
0x8: {  	[smem:$0x3FAB] =	sst s0  }
0x9: {  	[smem:$0x3FAC] =	sst s1  }
0xa: {  	[smem:$0x3FAD] =	sst s2  }
0xb: {  	[smem:$0x3FAE] =	sst s3  }
0xc: {  	[smem:$0x3FAF] =	sst s4  }
0xd: {  	[smem:$0x3FB0] =	sst s5  }
0xe: {  	[smem:$0x3FB1] =	sst s6  }
0xf: {  	[smem:$0x3FB2] =	sst s7  }
0x10: {  	[smem:$0x3FB3] =	sst s8  }
0x11: {  	[smem:$0x3FB4] =	sst s9;
	s0 =	simm.s32 @!p0 $0x0  }
0x12: {  	s1 =	sld [smem:$0x3F9A];
	s0 =	simm.s32 @p0 $0x1  }
0x13: {  	[smem:$0x3FB5] =	sst s0;
	s0 =	simm.s32 @!p1 $0x0  }
0x14: {  	s2 =	sld [smem:$0x3F99];
	s0 =	simm.s32 @p1 $0x1  }
0x15: {  	[smem:$0x3FB6] =	sst s0;
	s0 =	simm.s32 @!p2 $0x0  }
0x16: {  	s3 =	sld [smem:$0x3FDB];
	s0 =	simm.s32 @p2 $0x1  }
0x17: {  	s4 =	simm.s32 $0x1BF5;
	[smem:$0x3FB8] =	sst s0  }
0x18: {  	s0 =	sld [smem:$0x3F9B];
	_ =	swait.ge [sflag:s4], $0x0  }
0x19: {  	s7 =	sld [smem:$0x3F9C]  }
0x1a: {  	s8 =	sadd.s32 $0xFFFFE003, lr  }
0x1b: {  	s9 =	sadd.s32 $0xFFFFFEF7, lr;
	s5 =	simm.s32 $0xFFFFFFFF;
	p2 =	slt.u32 s8, $0xFFFFF086  }
0x1c: {  	p1 =	slt.u32 s9, $0xF7A;
	s5 =	simm.s32 @!p2 $0x0  }
0x1d: {  	s5 =	simm.s32 @p1 $0x1;
	p0 =	seq.s32 s7, s2  }
0x1e: {  	s7 =	smul.u32 @!p0 $0xF7A, s2;
	p2 =	seq.s32 @!p0 s5, $0x0  }
0x1f: {  	s9 =	smul.u32 $0xF7A, s1;
	s8 =	simm.s32 @!p0 $0x1BF5;
	p2 =	por !p2, p0  }
0x20: {  	[sflag:s8] =	ssyncset.s32 @!p0 $0xFFFFF086;
	s6 =	sadd.s32 @!p0 s3, s7;
	s7 =	simm.s32 @!p0 $0x108  }
0x21: {  	s3 =	sadd.s32 s3, s9;
	s6 =	sadd.s32 @!p0 $0x88, s6;
	s7 =	simm.s32 @p2 $0x1082  }
0x22: {  	[simem:s7], [sflag:s8] =	dma.local @!p0 [hbm:s6], $0xF7A  }
0x23: {  	s9 =	sor.u32 $0xD0000000, s2;
	s6 =	simm.s32 $0x108;
	_ =	swait.ge @!p0 [sflag:s8], $0x0  }
0x24: {  	s3 =	sadd.s32 $0x88, s3;
	s6 =	simm.s32 @!p1 $0x1082;
	[sflag:s4] =	ssyncset.s32 $0xFFFFF086  }
0x25: {  	[simem:s6], [sflag:s4] =	dma.local [hbm:s3], $0xF7A  }
0x26: {  	[smem:$0x3F9C] =	sst s1;
	(tag) =	ssettag s2;
	_ =	strace s9  }
0x27: {  	s1 =	sld [smem:$0x3FAC]  }
0x28: {  	s2 =	sld [smem:$0x3FAD]  }
0x29: {  	s4 =	sld [smem:$0x3FAF]  }
0x2a: {  	p0 =	seq.s32 s5, $0x0;
	s5 =	sld [smem:$0x3FB0]  }
0x2b: {  	s6 =	sld [smem:$0x3FB1]  }
0x2c: {  	s7 =	sld [smem:$0x3FB2]  }
0x2d: {  	s3 =	simm.s32 $0x108;
	s8 =	sld [smem:$0x3FB3]  }
0x2e: {  	s3 =	simm.s32 @!p0 $0x1082;
	s9 =	sld [smem:$0x3FB4]  }
0x2f: {  	lr =	sadd.s32 s0, s3;
	s0 =	sld [smem:$0x3FAB]  }
0x30: {  	s3 =	sld [smem:$0x3FAE]  }
0x31: {  	[smem:$0x3FB7] =	sst s10  }
0x32: {  	s10 =	sld [smem:$0x3FB5];
	_ =	sdelay $0x3  }
0x33: {  	p0 =	seq.s32 s10, $0x1;
	s10 =	sld [smem:$0x3FB7];
	_ =	sdelay $0x3  }
0x34: {  	[smem:$0x3FB7] =	sst s10  }
0x35: {  	s10 =	sld [smem:$0x3FB6];
	_ =	sdelay $0x3  }
0x36: {  	p1 =	seq.s32 s10, $0x1;
	s10 =	sld [smem:$0x3FB7];
	_ =	sdelay $0x3  }
0x37: {  	[smem:$0x3FB7] =	sst s10  }
0x38: {  	s10 =	sld [smem:$0x3FB8]  }
0x39: {  	_ = 	snop;
	(pc) =	sbr.ind lr, $3  }
0x3a: {  	_ = 	snop  }
0x3b: {  	_ = 	snop  }
0x3c: {  	p2 =	seq.s32 s10, $0x1;
	s10 =	sld [smem:$0x3FB7]  }
0x3d: {  	_ =	shalt  }
0x3e: {  	_ =	shalt  }
0x3f: {  	_ =	shalt  }
0x40: {  	_ =	shalt  }
0x41: {  	_ =	shalt  }
0x42: {  	_ =	shalt  }
0x43: {  	_ =	shalt  }
0x44: {  	_ =	shalt  }
0x45: {  	_ =	shalt  }
0x46: {  	_ =	shalt  }
0x47: {  	_ =	shalt  }
0x48: {  	_ =	shalt  }
0x49: {  	_ =	shalt  }
0x4a: {  	_ =	shalt  }
0x4b: {  	_ =	shalt  }
0x4c: {  	_ =	shalt  }
0x4d: {  	_ =	shalt  }
0x4e: {  	_ =	shalt  }
0x4f: {  	_ =	shalt  }
0x50: {  	_ =	shalt  }
0x51: {  	_ =	shalt  }
0x52: {  	_ =	shalt  }
0x53: {  	_ =	shalt  }
0x54: {  	_ =	shalt  }
0x55: {  	_ =	shalt  }
0x56: {  	_ =	shalt  }
0x57: {  	_ =	shalt  }
0x58: {  	_ =	shalt  }
0x59: {  	_ =	shalt  }
0x5a: {  	_ =	shalt  }
0x5b: {  	_ =	shalt  }
0x5c: {  	_ =	shalt  }
0x5d: {  	_ =	shalt  }
0x5e: {  	_ =	shalt  }
0x5f: {  	_ =	shalt  }
0x60: {  	_ =	shalt  }
0x61: {  	_ =	shalt  }
0x62: {  	_ =	shalt  }
0x63: {  	_ =	shalt  }
0x64: {  	_ =	shalt  }
0x65: {  	_ =	shalt  }
0x66: {  	_ =	shalt  }
0x67: {  	_ =	shalt  }
0x68: {  	_ =	shalt  }
0x69: {  	_ =	shalt  }
0x6a: {  	_ =	shalt  }
0x6b: {  	_ =	shalt  }
0x6c: {  	_ =	shalt  }
0x6d: {  	_ =	shalt  }
0x6e: {  	_ =	shalt  }
0x6f: {  	_ =	shalt  }
0x70: {  	_ =	shalt  }
0x71: {  	_ =	shalt  }
0x72: {  	_ =	shalt  }
0x73: {  	_ =	shalt  }
0x74: {  	_ =	shalt  }
0x75: {  	_ =	shalt  }
0x76: {  	_ =	shalt  }
0x77: {  	_ =	shalt  }
0x78: {  	_ =	shalt  }
0x79: {  	_ =	shalt  }
0x7a: {  	_ =	shalt  }
0x7b: {  	_ =	shalt  }
0x7c: {  	_ =	shalt  }
0x7d: {  	_ =	shalt  }
0x7e: {  	_ =	shalt  }
0x7f: {  	_ =	shalt  }
0x80: {  	_ =	shalt  }
0x81: {  	_ =	shalt  }
0x82: {  	_ =	shalt  }
0x83: {  	_ =	shalt  }
0x84: {  	_ =	shalt  }
0x85: {  	_ =	shalt  }
0x86: {  	_ =	shalt  }
0x87: {  	_ =	shalt  }
.Lfunc_end0:
.L_simem_size_0:
called_computation.1_lowered:
.L_overlay_start_0:
0x88: {  	s2 =	sld [smem:$0x3FD9]  }
0x89: {  	s3 =	sld [smem:$0x3FFE];
	_ =	sdelay $0x1  }
0x8a: {  	s1 =	srdreg.scid  }
0x8b: {  	s0 =	sand.u32 $0x1, s1  }
0x8c: {  	s16 =	sshll.u32 s0, $0xA;
	s2 =	sadd.s32 s3, s2  }
0x8d: {  	s2 =	sadd.s32 s2, s16  }
0x8e: {  	[smem:$0x3FC3] =	sst s2  }
0x8f: {  	_ = 	snop  }
0x90: {  	(tm) =	ssettm $0x1  }
0x91: {  	s17 =	sld [smem:$0x3FFB];
	_ =	sdelay $0x3  }
0x92: {  	_ =	strace s17  }
0x93: {  	s2 =	sld [smem:$0x3FFC];
	_ =	sdelay $0x3  }
0x94: {  	_ =	strace s2  }
0x95: {  	s2 =	sld [smem:$0x3FFD];
	_ =	sdelay $0x3  }
0x96: {  	_ =	strace s2  }
0x97: {  	_ =	strace $0x8FFFFFFF  }
0x98: {  	s18 =	sld [smem:$0x3FDB];
	_ =	sdelay $0x1  }
0x99: {  	s19 =	simm.s32 $_scs_section_size  }
0x9a: {  	s4 =	simm.s32 $_size__tile_overlayer_lowered;
	s5 =	simm.s32 $_tile_overlayer_lowered  }
0x9b: {  	s22 =	simm.s32 $0x1BFF;
	s21 =	sshll.u32 s5, $0x1;
	s2 =	sadd.s32 s19, s18  }
0x9c: {  	s6 =	simm.s32 $0x0;
	s20 =	sshll.u32 s4, $0x1;
	s4 =	sadd.s32 s21, s2  }
0x9d: {  	[timem:s6], [sflag:s22] =	dma.local [hbm:s4], s20  }
0x9e: {  	_ =	swait.ge [sflag:s22], s20  }
0x9f: {  	s3 =	ssub.s32 $0x0, s20;
	[sflag:s22] =	ssyncset.done $0x0  }
0xa0: {  	[sflag:s22] =	ssyncadd.s32 s3;
	_ =	sdelay $0x1  }
0xa1: {  	s23 =	simm.s32 $0x1B8B  }
0xa2: {  	_ =	swait.ge [sflag:s23], $0x1  }
0xa3: {  	[sflag:s23] =	ssyncset.done $0x0  }
0xa4: {  	s25 =	simm.s32 $0x1B8E;
	s24 =	sld [smem:$0x3FFE];
	[sflag:s23] =	ssyncadd.s32 $0xFFFFFFFF  }
0xa5: {  	s26 =	simm.s32 $execute0_lowered;
	[smem:$0x3FD2] =	sst s25  }
0xa6: {  	s4 =	sshll.u32 s26, $0x1;
	_ =	strace $0x8000004C;
	[dreg:$0x1] =	wrdreg $0xFFFFFFFF  }
0xa7: {  	s28 =	simm.s32 $_size_execute0_lowered;
	s2 =	sadd.s32 s2, s4;
	[dreg:$0x0] =	wrdreg $0x0  }
0xa8: {  	s4 =	sshll.u32 s28, $0x1;
	[dreg:$0x2] =	wrdreg s2  }
0xa9: {  	[dreg:$0x3] =	wrdreg s4  }
0xaa: {  	[dreg:$0x4] =	wrdreg $0xC0  }
0xab: {  	_ =	task [dreg:s6], $0x5FFFF  }
0xac: {  	[dreg:$0x1] =	wrdreg $0xFFFFFFFF  }
0xad: {  	[dreg:$0x0] =	wrdreg $0x60  }
0xae: {  	[dreg:$0x2] =	wrdreg s24  }
0xaf: {  	[dreg:$0x3] =	wrdreg $0x9  }
0xb0: {  	_ =	task.clear_ibuf [dreg:s6], $0x4FFFF;
	_ =	strace $0x9000004C  }
0xb1: {  	s29 =	simm.s32 $0x9;
	_ =	strace $0x8000004E  }
0xb2: {  	_ =	swait.ge [sflag:s29], $0x1  }
0xb3: {  	[sflag:s29] =	ssyncadd.s32 $0xFFFFFFFF  }
0xb4: {  	_ =	strace $0x9000004E  }
0xb5: {  	_ =	sfence  }
0xb6: {  	s30 =	sld [smem:$0x0];
	_ =	sdelay $0x2  }
0xb7: {  	s31 =	sshll.u32 s1, $0xD;
	s1 =	sshrl.u32 s1, $0x2  }
0xb8: {  	s3 =	sand.u32 $0x4000, s31;
	s1 =	sadd.s32 s1, s30  }
0xb9: {  	s0 =	sor.u32 s3, s0;
	s1 =	sshll.u32 s1, $0x11  }
0xba: {  	s0 =	sor.u32 s1, s0  }
0xbb: {  	s0 =	sadd.s32 $0x8F2B, s0  }
0xbc: {  	[sflag:s0] =	ssyncadd.remote.s32 $0x1  }
0xbd: {  	_ =	sfence.sel $0xFFFF  }
0xbe: {  	[dreg:$0x0] =	wrdreg $0xFFFFFFFF;
	(pc) =	sbr.abs _section_cstart, $3  }
0xbf: {  	[dreg:$0x1] =	wrdreg $0xFFFFFFFF  }
0xc0: {  	_ =	task.clear_ibuf [dreg:s6], $0x2FFFF;
	_ =	strace $0x9FFFFFFF  }
0xc1: {  	(tm) =	ssettm $0x7FFFFFFF  }
tec
execute0_lowered:
.L_overlay_start_1:
0x0: {  	(tag) =	ssettag $0x1  }
0x1: {  	s7 =	rddreg [dreg:$0x0]  }
0x2: {  	s1 =	srdreg.scid;
	s0 =	rddreg [dreg:$0x1]  }
0x3: {  	_ =	strace $0x8000004D;
	s3 =	simm.s32 $0x1;
	s5 =	simm.s32 $0x2  }
0x4: {  	s9 =	simm.s32 $0x3;
	s11 =	simm.s32 $0x0;
	s2 =	sshll.u32 s1, $0x4  }
.Ltmp0:
0x5: {  	s1 =	stileid.u32;
	s4 =	sand.u32 $0x10, s2;
	(pc) =	sbr.rel .LBB2_1-.Ltmp0, $4  }
0x6: {  	p0 =	por $0x0, $0x0;
	[sflag:s3] =	ssyncpa.u1 $0x0;
	s4 =	sor.u32 s1, s4  }
0x7: {  	s6 =	sadd.s32 $0x186A00, s7;
	[sflag:s5] =	ssyncpa.u1 $0x0;
	s4 =	smul.u32 $0xF00, s4  }
0x8: {  	s2 =	sadd.s32 $0x4ACA00, s7;
	s7 =	sadd.s32 $0x18A600, s7;
	[sflag:s9] =	ssyncpa.u1 $0x0  }
0x9: {  	vm0 =	vmmov $0xff;
	vm1 =	vcmask $0x3F20;
	s9 =	simm.s32 $0x0;
	s8 =	sadd.s32 $0xF00, s4;
	s10 =	smov.u32 s4  }
.LBB2_6:
0xa: {  	[hbm:s15] =	stream.linear.scatter [tilespmem:s12], [sflag:$0x3], $0x400, $0x38;
	[tilespmem:$0x18300] =	vst v63  }
.LBB2_7:
0xb: {  	p1 =	slt.u32 s9, $0x2;
	s11 =	sadd.s32 $0x180, s10  }
0xc: {  	s13 =	smov.u32 s4;
	s9 =	sadd.s32 $0x1, s9;
	p2 =	slt.s32 s11, s8  }
0xd: {  	s13 =	smov.u32 @p2 s11;
	p2 =	sne.s32 s9, $0xC  }
.Ltmp1:
0xe: {  	_ = 	snop;
	(pc) =	sbr.rel @!p2 .LBB2_8-.Ltmp1, $4  }
0xf: {  	s12 =	simm.s32 @!p1 $0x3  }
0x10: {  	_ =	swait.ge @!p1 [sflag:s12], $0xC000  }
0x11: {  	p0 =	por !p0, !p0;
	[sflag:s12] =	ssyncset.done @!p1 $0x0  }
0x12: {  	s11 =	smov.u32 s10;
	s10 =	smov.u32 s13;
	[sflag:s12] =	ssyncadd.s32 @!p1 $0xFFFF4000  }
.LBB2_1:
0x13: {  	p1 =	sgt.u32 s9, $0x9  }
0x14: {  	s12 =	sxor.u32 @!p1 $0xFFFFFFFF, s9  }
0x15: {  	s12 =	sand.u32 @!p1 $0x1, s12  }
0x16: {  	s12 =	smul.u32 @!p1 $0x600, s12  }
0x17: {  	s31 =	sadd.s32 $0xFFFFFFFF, s9;
	s13 =	sshrl.u32 @!p1 s10, $0x3  }
0x18: {  	s14 =	sand.u32 @!p1 $0x7, s10;
	s13 =	sadd.s32 @!p1 s6, s13;
	s12 =	sshrl.u32 @!p1 s12, $0x2  }
0x19: {  	[tilespmem:s12], [sflag:$0x2] =	stream.linear.gather @!p1 [hbm4b:s13+s14], $0x180, $0x38;
	[tilespmem:$0x18300] =	vst v63  }
0x1a: {  	p1 =	sgt.u32 s31, $0x9  }
.Ltmp2:
0x1b: {  	_ = 	snop;
	(pc) =	sbr.rel @p1 .LBB2_7-.Ltmp2, $1  }
0x1c: {  	_ =	sdelay $0x3  }
0x1d: {  	s12 =	simm.s32 $0x1  }
0x1e: {  	s12 =	simm.s32 @!p0 $0x0  }
0x1f: {  	s13 =	smul.u32 $0x600, s12  }
0x20: {  	_ =	swait.ge [sflag:s5], $0x180  }
0x21: {  	[sflag:s5] =	ssyncset.done $0x0;
	s14 =	sshrl.u32 s13, $0x2  }
0x22: {  	[sflag:s5] =	ssyncadd.s32 $0xFFFFFE80;
	s13 =	sadd.s32 $0x0, s14  }
0x23: {  	v0 =	vld.msk [tilespmem:s13+$0x0 ss:$0x1], $0xffff;
	_ =	sdelay $0x4  }
0x24: {  	v1 =	vand.u32 $0x3FF, v0;
	v2 =	vshrl.u32 v0, $0x3  }
0x25: {  	vm2 =	veq.s32 v0, $0x80000000;
	v0 =	vmul.u32 $0x6400, v1;
	v1 =	vand.u32 $0x7F80, v2  }
0x26: {  	v1 =	vsel vm2, $0xFFFFFF80, v1  }
0x27: {  	v0 =	vsel vm2, $0xFFFF9C00, v0;
	v2 =	vand.u32 $0xFFFFFC00, v1  }
0x28: {  	v1 =	vand.u32 $0x380, v1;
	v0 =	vadd.s32 v0, v2  }
0x29: {  	v0 =	vor.u32 v1, v0  }
0x2a: {  	v0 =	vshrl.u32 v0, $0x3  }
0x2b: {  	s12 =	smul.u32 $0x30000, s12;
	_ =	sdelay $0x1  }
0x2c: {  	s12 =	sshrl.u32 s12, $0x2  }
0x2d: {  	s12 =	sor.u32 $0x300, s12  }
0x2e: {  	[tilespmem:s12], [sflag:$0x1] =	stream.indirect_vreg.gather [hbm:s2], $0x80, v0, vm0, $0x38;
	[tilespmem:$0x18300] =	vst v63  }
0x2f: {  	s15 =	sadd.s32 $0x10, s14;
	s13 =	sadd.s32 $0x400, s12  }
0x30: {  	[tilespmem:s13], [sflag:$0x1] =	stream.indirect_vreg.gather [hbm:s2], $0x80, v0, vm1, $0x38;
	[tilespmem:$0x18300] =	vst v63  }
0x31: {  	s16 =	simm.s32 $0x80;
	v0 =	vld.msk [tilespmem:s15+$0x0 ss:$0x1], $0xffff;
	s15 =	smov.u32 s12  }
.LBB2_3:
0x32: {  	p1 =	sne.s32 s16, $0x5C0;
	_ =	sdelay $0x4  }
0x33: {  	v1 =	vand.u32 $0x3FF, v0;
	v2 =	vshrl.u32 v0, $0x3  }
0x34: {  	vm2 =	veq.s32 v0, $0x80000000;
	v0 =	vmul.u32 $0x6400, v1;
	v1 =	vand.u32 $0x7F80, v2  }
0x35: {  	v1 =	vsel vm2, $0xFFFFFF80, v1  }
0x36: {  	v0 =	vsel vm2, $0xFFFF9C00, v0;
	v2 =	vand.u32 $0xFFFFFC00, v1  }
0x37: {  	v1 =	vand.u32 $0x380, v1;
	v0 =	vadd.s32 v0, v2  }
0x38: {  	v0 =	vor.u32 v1, v0  }
0x39: {  	v0 =	vshrl.u32 v0, $0x3;
	_ =	sdelay $0x3  }
.Ltmp3:
0x3a: {  	s17 =	sshra.s32 s16, $0x2;
	s15 =	sadd.s32 $0x800, s15;
	(pc) =	sbr.rel @p1 .LBB2_3-.Ltmp3, $4  }
0x3b: {  	[tilespmem:s15], [sflag:$0x1] =	stream.indirect_vreg.gather [hbm:s2], $0x80, v0, vm0, $0x38;
	[tilespmem:$0x18300] =	vst v63  }
0x3c: {  	s17 =	sadd.s32 s17, s14;
	s18 =	sadd.s32 $0x400, s15  }
0x3d: {  	[tilespmem:s18], [sflag:$0x1] =	stream.indirect_vreg.gather [hbm:s2], $0x80, v0, vm1, $0x38;
	[tilespmem:$0x18300] =	vst v63  }
0x3e: {  	s16 =	sadd.s32 $0x40, s16;
	v0 =	vld.msk [tilespmem:s17+$0x0 ss:$0x1], $0xffff  }
0x3f: {  	_ =	sdelay $0x3  }
0x40: {  	v1 =	vand.u32 $0x3FF, v0;
	v2 =	vshrl.u32 v0, $0x3  }
0x41: {  	vm2 =	veq.s32 v0, $0x80000000;
	v61 =	vmul.u32 $0x6400, v1;
	v62 =	vand.u32 $0x7F80, v2  }
0x42: {  	v1 =	vsel vm2, $0xFFFFFF80, v62  }
0x43: {  	v0 =	vsel vm2, $0xFFFF9C00, v61;
	v63 =	vand.u32 $0xFFFFFC00, v1  }
0x44: {  	v1 =	vand.u32 $0x380, v1;
	v0 =	vadd.s32 v0, v63  }
0x45: {  	v0 =	vor.u32 v1, v0  }
0x46: {  	v0 =	vshrl.u32 v0, $0x3;
	_ =	sdelay $0x3  }
0x47: {  	s14 =	sadd.s32 $0x800, s15  }
0x48: {  	[tilespmem:s14], [sflag:$0x1] =	stream.indirect_vreg.gather [hbm:s2], $0x80, v0, vm0, $0x38;
	[tilespmem:$0x18300] =	vst v63  }
0x49: {  	s14 =	sadd.s32 $0x400, s14  }
0x4a: {  	[tilespmem:s14], [sflag:$0x1] =	stream.indirect_vreg.gather [hbm:s2], $0x80, v0, vm1, $0x38;
	[tilespmem:$0x18300] =	vst v63  }
0x4b: {  	s11 =	sshll.u32 s11, $0x4;
	_ =	swait.ge [sflag:s3], $0xC000  }
0x4c: {  	s11 =	sadd.s32 s11, s7;
	[sflag:s3] =	ssyncset.done $0x0  }
0x4d: {  	s15 =	sadd.s32 $0x0, s11;
	s14 =	simm.s32 $0x80;
	[sflag:s3] =	ssyncadd.s32 $0xFFFF4000  }
.LBB2_5:
0x4e: {  	[hbm:s15] =	stream.linear.scatter [tilespmem:s12], [sflag:$0x3], $0x400, $0x38;
	[tilespmem:$0x18300] =	vst v63  }
0x4f: {  	s15 =	smov.u32 s14;
	s12 =	smov.u32 s13;
	p1 =	sne.s32 s14, $0x1780  }
.Ltmp4:
0x50: {  	s14 =	sadd.s32 $0x80, s14;
	(pc) =	sbr.rel @p1 .LBB2_5-.Ltmp4, $2  }
0x51: {  	_ =	sdelay $0x2  }
0x52: {  	s13 =	sadd.s32 $0x400, s13;
	s15 =	sadd.s32 s15, s11  }
.Ltmp5:
0x53: {  	_ = 	snop;
	(pc) =	sbr.rel .LBB2_6-.Ltmp5, $1  }
0x54: {  	_ =	sdelay $0x3  }
.LBB2_8:
0x55: {  	_ =	sfence.sel $0x180000  }
0x56: {  	s2 =	simm.s32 $0x2;
	[bflag:$0x0] =	sbarrier.arrive $0xFFFF  }
0x57: {  	s30 =	simm.s32 $0x3;
	[sflag:s2] =	ssyncpa.u1 $0x1  }
0x58: {  	s31 =	simm.s32 $0x1;
	[sflag:s30] =	ssyncpa.u1 $0x1  }
0x59: {  	[sflag:s31] =	ssyncpa.u1 $0x1  }
0x5a: {  	p0 =	sne.s32 s1, $0x0;
	_ =	strace $0x9000004D  }
0x5b: {  	s0 =	sadd.s32 @!p0 $0x100000, s0;
	[bflag:$0x2] =	sbarrier.arrive $0xFFFF  }
0x5c: {  	[sflag:s0] =	ssyncadd.tile.s32 @!p0 $0x1;
	_ =	shalt  }
.Lfunc_end2:
_tile_overlayer_lowered:
.L_overlay_start_2:
0x5d: {  	(tag) =	ssettag $0x2  }
0x5e: {  	s0 =	rddreg [dreg:$0x0];
	s2 =	stileid.u32  }
0x5f: {  	s1 =	rddreg [dreg:$0x1];
	p0 =	sne.s32 s2, $0x0  }
0x60: {  	s3 =	rddreg [dreg:$0x2];
	[bflag:$0x3] =	sbarrier.arrive $0xFFFF;
	s2 =	simm.s32 @!p0 $0x1C01  }
0x61: {  	[timem:s3], [sflag:s2] =	dma.local @!p0 [hbm:s0], s1  }
0x62: {  	s0 =	simm.s32 @!p0 $0x1  }
0x63: {  	_ =	swait.ge @!p0 [sflag:s0], s1  }
0x64: {  	s1 =	ssub.s32 @!p0 $0x0, s1;
	[sflag:s0] =	ssyncset.done @!p0 $0x0  }
0x65: {  	[sflag:s0] =	ssyncadd.s32 @!p0 s1  }
0x66: {  	[bflag:$0x3] =	sbarrier.arrive $0xFFFF  }
0x67: {  	_ =	shalt  }

// kernel: kernel.4.cloned.1.call-start
scs
__scs_entry_jumppad:
0x0: {  	(pc) =	sbr.rel $0x88, $3  }
0x1: {  	(tag) =	ssettag $0x0;
	lr =	simm.s32 $0x1  }
0x2: {  	[smem:$0x3F9C] =	sst lr;
	_ =	strace $0xD0000000  }
0x3: {  	_ = 	snop  }
0x4: {  	_ = 	snop  }
0x5: {  	_ = 	snop  }
0x6: {  	_ = 	snop  }
0x7: {  	_ = 	snop  }
__scs_overlays_trampoline_lowered:
0x8: {  	[smem:$0x3FAB] =	sst s0  }
0x9: {  	[smem:$0x3FAC] =	sst s1  }
0xa: {  	[smem:$0x3FAD] =	sst s2  }
0xb: {  	[smem:$0x3FAE] =	sst s3  }
0xc: {  	[smem:$0x3FAF] =	sst s4  }
0xd: {  	[smem:$0x3FB0] =	sst s5  }
0xe: {  	[smem:$0x3FB1] =	sst s6  }
0xf: {  	[smem:$0x3FB2] =	sst s7  }
0x10: {  	[smem:$0x3FB3] =	sst s8  }
0x11: {  	[smem:$0x3FB4] =	sst s9;
	s0 =	simm.s32 @!p0 $0x0  }
0x12: {  	s1 =	sld [smem:$0x3F9A];
	s0 =	simm.s32 @p0 $0x1  }
0x13: {  	[smem:$0x3FB5] =	sst s0;
	s0 =	simm.s32 @!p1 $0x0  }
0x14: {  	s2 =	sld [smem:$0x3F99];
	s0 =	simm.s32 @p1 $0x1  }
0x15: {  	[smem:$0x3FB6] =	sst s0;
	s0 =	simm.s32 @!p2 $0x0  }
0x16: {  	s3 =	sld [smem:$0x3FDB];
	s0 =	simm.s32 @p2 $0x1  }
0x17: {  	s4 =	simm.s32 $0x1BF5;
	[smem:$0x3FB8] =	sst s0  }
0x18: {  	s0 =	sld [smem:$0x3F9B];
	_ =	swait.ge [sflag:s4], $0x0  }
0x19: {  	s7 =	sld [smem:$0x3F9C]  }
0x1a: {  	s8 =	sadd.s32 $0xFFFFE003, lr  }
0x1b: {  	s9 =	sadd.s32 $0xFFFFFEF7, lr;
	s5 =	simm.s32 $0xFFFFFFFF;
	p2 =	slt.u32 s8, $0xFFFFF086  }
0x1c: {  	p1 =	slt.u32 s9, $0xF7A;
	s5 =	simm.s32 @!p2 $0x0  }
0x1d: {  	s5 =	simm.s32 @p1 $0x1;
	p0 =	seq.s32 s7, s2  }
0x1e: {  	s7 =	smul.u32 @!p0 $0xF7A, s2;
	p2 =	seq.s32 @!p0 s5, $0x0  }
0x1f: {  	s9 =	smul.u32 $0xF7A, s1;
	s8 =	simm.s32 @!p0 $0x1BF5;
	p2 =	por !p2, p0  }
0x20: {  	[sflag:s8] =	ssyncset.s32 @!p0 $0xFFFFF086;
	s6 =	sadd.s32 @!p0 s3, s7;
	s7 =	simm.s32 @!p0 $0x108  }
0x21: {  	s3 =	sadd.s32 s3, s9;
	s6 =	sadd.s32 @!p0 $0x88, s6;
	s7 =	simm.s32 @p2 $0x1082  }
0x22: {  	[simem:s7], [sflag:s8] =	dma.local @!p0 [hbm:s6], $0xF7A  }
0x23: {  	s9 =	sor.u32 $0xD0000000, s2;
	s6 =	simm.s32 $0x108;
	_ =	swait.ge @!p0 [sflag:s8], $0x0  }
0x24: {  	s3 =	sadd.s32 $0x88, s3;
	s6 =	simm.s32 @!p1 $0x1082;
	[sflag:s4] =	ssyncset.s32 $0xFFFFF086  }
0x25: {  	[simem:s6], [sflag:s4] =	dma.local [hbm:s3], $0xF7A  }
0x26: {  	[smem:$0x3F9C] =	sst s1;
	(tag) =	ssettag s2;
	_ =	strace s9  }
0x27: {  	s1 =	sld [smem:$0x3FAC]  }
0x28: {  	s2 =	sld [smem:$0x3FAD]  }
0x29: {  	s4 =	sld [smem:$0x3FAF]  }
0x2a: {  	p0 =	seq.s32 s5, $0x0;
	s5 =	sld [smem:$0x3FB0]  }
0x2b: {  	s6 =	sld [smem:$0x3FB1]  }
0x2c: {  	s7 =	sld [smem:$0x3FB2]  }
0x2d: {  	s3 =	simm.s32 $0x108;
	s8 =	sld [smem:$0x3FB3]  }
0x2e: {  	s3 =	simm.s32 @!p0 $0x1082;
	s9 =	sld [smem:$0x3FB4]  }
0x2f: {  	lr =	sadd.s32 s0, s3;
	s0 =	sld [smem:$0x3FAB]  }
0x30: {  	s3 =	sld [smem:$0x3FAE]  }
0x31: {  	[smem:$0x3FB7] =	sst s10  }
0x32: {  	s10 =	sld [smem:$0x3FB5];
	_ =	sdelay $0x3  }
0x33: {  	p0 =	seq.s32 s10, $0x1;
	s10 =	sld [smem:$0x3FB7];
	_ =	sdelay $0x3  }
0x34: {  	[smem:$0x3FB7] =	sst s10  }
0x35: {  	s10 =	sld [smem:$0x3FB6];
	_ =	sdelay $0x3  }
0x36: {  	p1 =	seq.s32 s10, $0x1;
	s10 =	sld [smem:$0x3FB7];
	_ =	sdelay $0x3  }
0x37: {  	[smem:$0x3FB7] =	sst s10  }
0x38: {  	s10 =	sld [smem:$0x3FB8]  }
0x39: {  	_ = 	snop;
	(pc) =	sbr.ind lr, $3  }
0x3a: {  	_ = 	snop  }
0x3b: {  	_ = 	snop  }
0x3c: {  	p2 =	seq.s32 s10, $0x1;
	s10 =	sld [smem:$0x3FB7]  }
0x3d: {  	_ =	shalt  }
0x3e: {  	_ =	shalt  }
0x3f: {  	_ =	shalt  }
0x40: {  	_ =	shalt  }
0x41: {  	_ =	shalt  }
0x42: {  	_ =	shalt  }
0x43: {  	_ =	shalt  }
0x44: {  	_ =	shalt  }
0x45: {  	_ =	shalt  }
0x46: {  	_ =	shalt  }
0x47: {  	_ =	shalt  }
0x48: {  	_ =	shalt  }
0x49: {  	_ =	shalt  }
0x4a: {  	_ =	shalt  }
0x4b: {  	_ =	shalt  }
0x4c: {  	_ =	shalt  }
0x4d: {  	_ =	shalt  }
0x4e: {  	_ =	shalt  }
0x4f: {  	_ =	shalt  }
0x50: {  	_ =	shalt  }
0x51: {  	_ =	shalt  }
0x52: {  	_ =	shalt  }
0x53: {  	_ =	shalt  }
0x54: {  	_ =	shalt  }
0x55: {  	_ =	shalt  }
0x56: {  	_ =	shalt  }
0x57: {  	_ =	shalt  }
0x58: {  	_ =	shalt  }
0x59: {  	_ =	shalt  }
0x5a: {  	_ =	shalt  }
0x5b: {  	_ =	shalt  }
0x5c: {  	_ =	shalt  }
0x5d: {  	_ =	shalt  }
0x5e: {  	_ =	shalt  }
0x5f: {  	_ =	shalt  }
0x60: {  	_ =	shalt  }
0x61: {  	_ =	shalt  }
0x62: {  	_ =	shalt  }
0x63: {  	_ =	shalt  }
0x64: {  	_ =	shalt  }
0x65: {  	_ =	shalt  }
0x66: {  	_ =	shalt  }
0x67: {  	_ =	shalt  }
0x68: {  	_ =	shalt  }
0x69: {  	_ =	shalt  }
0x6a: {  	_ =	shalt  }
0x6b: {  	_ =	shalt  }
0x6c: {  	_ =	shalt  }
0x6d: {  	_ =	shalt  }
0x6e: {  	_ =	shalt  }
0x6f: {  	_ =	shalt  }
0x70: {  	_ =	shalt  }
0x71: {  	_ =	shalt  }
0x72: {  	_ =	shalt  }
0x73: {  	_ =	shalt  }
0x74: {  	_ =	shalt  }
0x75: {  	_ =	shalt  }
0x76: {  	_ =	shalt  }
0x77: {  	_ =	shalt  }
0x78: {  	_ =	shalt  }
0x79: {  	_ =	shalt  }
0x7a: {  	_ =	shalt  }
0x7b: {  	_ =	shalt  }
0x7c: {  	_ =	shalt  }
0x7d: {  	_ =	shalt  }
0x7e: {  	_ =	shalt  }
0x7f: {  	_ =	shalt  }
0x80: {  	_ =	shalt  }
0x81: {  	_ =	shalt  }
0x82: {  	_ =	shalt  }
0x83: {  	_ =	shalt  }
0x84: {  	_ =	shalt  }
0x85: {  	_ =	shalt  }
0x86: {  	_ =	shalt  }
0x87: {  	_ =	shalt  }
.Lfunc_end0:
.L_simem_size_0:
called_computation.2_lowered:
.L_overlay_start_0:
0x88: {  	s2 =	sld [smem:$0x3FD9]  }
0x89: {  	s3 =	sld [smem:$0x3FFE];
	_ =	sdelay $0x1  }
0x8a: {  	s1 =	srdreg.scid  }
0x8b: {  	s0 =	sand.u32 $0x1, s1  }
0x8c: {  	s17 =	sshll.u32 s0, $0xA;
	s2 =	sadd.s32 s3, s2  }
0x8d: {  	s2 =	sadd.s32 s2, s17  }
0x8e: {  	[smem:$0x3FC3] =	sst s2  }
0x8f: {  	_ = 	snop  }
0x90: {  	s2 =	sld [smem:$0x3FD0];
	(tm) =	ssettm $0x1  }
0x91: {  	s18 =	sld [smem:$0x3FFB];
	_ =	sdelay $0x3  }
0x92: {  	_ =	strace s18  }
0x93: {  	s3 =	sld [smem:$0x3FFC];
	_ =	sdelay $0x3  }
0x94: {  	_ =	strace s3  }
0x95: {  	s3 =	sld [smem:$0x3FFD];
	_ =	sdelay $0x3  }
0x96: {  	_ =	strace s3  }
0x97: {  	_ =	strace $0x8FFFFFFF  }
0x98: {  	s19 =	sld [smem:$0x3FDB];
	_ =	sdelay $0x1  }
0x99: {  	s4 =	simm.s32 $_scs_section_size  }
0x9a: {  	s5 =	simm.s32 $_size__tile_overlayer_lowered;
	s6 =	simm.s32 $_tile_overlayer_lowered  }
0x9b: {  	s22 =	simm.s32 $0x1BFF;
	s21 =	sshll.u32 s6, $0x1;
	s3 =	sadd.s32 s4, s19  }
0x9c: {  	s7 =	simm.s32 $0x0;
	s20 =	sshll.u32 s5, $0x1;
	s5 =	sadd.s32 s21, s3  }
0x9d: {  	[timem:s7], [sflag:s22] =	dma.local [hbm:s5], s20  }
0x9e: {  	_ =	swait.ge [sflag:s22], s20  }
0x9f: {  	s4 =	ssub.s32 $0x0, s20;
	[sflag:s22] =	ssyncset.done $0x0  }
0xa0: {  	[sflag:s22] =	ssyncadd.s32 s4;
	_ =	sdelay $0x1  }
0xa1: {  	s23 =	simm.s32 $0x1B8B  }
0xa2: {  	_ =	swait.ge [sflag:s23], $0x1  }
0xa3: {  	[sflag:s23] =	ssyncset.done $0x0  }
0xa4: {  	s25 =	simm.s32 $0x1B8E;
	s24 =	sld [smem:$0x3FFE];
	[sflag:s23] =	ssyncadd.s32 $0xFFFFFFFF  }
0xa5: {  	s26 =	simm.s32 $execute0_lowered;
	[smem:$0x3FD2] =	sst s25  }
0xa6: {  	s5 =	sshll.u32 s26, $0x1;
	_ =	strace $0x80000049;
	[dreg:$0x1] =	wrdreg $0xFFFFFFFF  }
0xa7: {  	s28 =	simm.s32 $_size_execute0_lowered;
	s3 =	sadd.s32 s3, s5;
	[dreg:$0x0] =	wrdreg $0x0  }
0xa8: {  	s5 =	sshll.u32 s28, $0x1;
	[dreg:$0x2] =	wrdreg s3  }
0xa9: {  	[dreg:$0x3] =	wrdreg s5  }
0xaa: {  	[dreg:$0x4] =	wrdreg $0xC0  }
0xab: {  	_ =	task [dreg:s7], $0x5FFFF  }
0xac: {  	[dreg:$0x1] =	wrdreg $0xFFFFFFFF  }
0xad: {  	[dreg:$0x0] =	wrdreg $0x60  }
0xae: {  	[dreg:$0x2] =	wrdreg s24  }
0xaf: {  	[dreg:$0x3] =	wrdreg s2  }
0xb0: {  	[dreg:$0x4] =	wrdreg $0x9  }
0xb1: {  	_ =	task.clear_ibuf [dreg:s7], $0x5FFFF;
	_ =	strace $0x90000049  }
0xb2: {  	s29 =	simm.s32 $0x9;
	_ =	strace $0x8000004B  }
0xb3: {  	_ =	swait.ge [sflag:s29], $0x1  }
0xb4: {  	[sflag:s29] =	ssyncadd.s32 $0xFFFFFFFF  }
0xb5: {  	_ =	strace $0x9000004B  }
0xb6: {  	_ =	sfence  }
0xb7: {  	s30 =	sld [smem:$0x0];
	_ =	sdelay $0x2  }
0xb8: {  	s31 =	sshll.u32 s1, $0xD;
	s1 =	sshrl.u32 s1, $0x2  }
0xb9: {  	s3 =	sand.u32 $0x4000, s31;
	s1 =	sadd.s32 s1, s30  }
0xba: {  	s0 =	sor.u32 s3, s0;
	s1 =	sshll.u32 s1, $0x11  }
0xbb: {  	s0 =	sor.u32 s1, s0  }
0xbc: {  	s0 =	sadd.s32 $0x8F2B, s0  }
0xbd: {  	[sflag:s0] =	ssyncadd.remote.s32 $0x1  }
0xbe: {  	_ =	sfence.sel $0xFFFF  }
0xbf: {  	[dreg:$0x0] =	wrdreg $0xFFFFFFFF;
	(pc) =	sbr.abs _section_cstart, $3  }
0xc0: {  	[dreg:$0x1] =	wrdreg $0xFFFFFFFF  }
0xc1: {  	_ =	task.clear_ibuf [dreg:s7], $0x2FFFF;
	_ =	strace $0x9FFFFFFF  }
0xc2: {  	(tm) =	ssettm $0x7FFFFFFF  }
0xc3: {  	_ =	shalt  }
tec
execute0_lowered:
.L_overlay_start_1:
0x0: {  	(tag) =	ssettag $0x1  }
0x1: {  	s0 =	rddreg [dreg:$0x0];
	s3 =	srdreg.scid  }
0x2: {  	s2 =	simm.s32 $0x0;
	s1 =	stileid.u32;
	s7 =	simm.s32 $0x1  }
0x3: {  	s8 =	simm.s32 $0x18800;
	s9 =	simm.s32 $0x19880;
	s3 =	sand.u32 $0x1, s3  }
.Ltmp0:
0x4: {  	s10 =	simm.s32 $0x1A900;
	s4 =	ssub.s32 $0x2, s3;
	(pc) =	sbr.rel .LBB2_1-.Ltmp0, $4  }
0x5: {  	v0 =	vlaneseq.u32;
	s11 =	simm.s32 $0x1B980;
	[smem:$0x7FF] =	sst s2;
	s5 =	sshrl.u32 s4, $0x1  }
0x6: {  	s30 =	sshll.u32 s1, $0x6;
	v3 =	vmul.u32 $0xFFFFFFFF, v0;
	s1 =	simm.s32 $0x0;
	s6 =	ssub.s32 s4, s5  }
0x7: {  	v1 =	vimm.s32 $0x0;
	v2 =	vimm.s32 $0x1;
	v5 =	vimm.f32 $-3.000000000e+00;
	_ =	strace $0x8000004A;
	s3 =	sshll.u32 s3, $0x5;
	s31 =	smax.u32 s6, $0x1  }
0x8: {  	v6 =	vimm.s32 $0x7FFFFFFF;
	v4 =	vor.u32 $0x80000000, v0;
	v3 =	vadd.s32 $0xF, v3;
	s4 =	sadd.s32 $0xF4EA00, s0;
	s5 =	sor.u32 s3, s30;
	[dreg:$0x3] =	wrdreg s31  }
.LBB2_22:
0x9: {  	s1 =	rddreg [dreg:$0x4]  }
0xa: {  	s0 =	rddreg [dreg:$0x3];
	s1 =	sadd.s32 $0x1, s1  }
0xb: {  	p0 =	sne.s32 s1, s0  }
.Ltmp1:
0xc: {  	_ = 	snop;
	(pc) =	sbr.rel @!p0 .LBB2_23-.Ltmp1, $1  }
0xd: {  	_ =	sdelay $0x3  }
.LBB2_1:
.Ltmp2:
0xe: {  	(pc) =	sbr.rel .LBB2_2-.Ltmp2, $2  }
0xf: {  	_ =	sdelay $0x2  }
0x10: {  	[dreg:$0x4] =	wrdreg s1;
	s13 =	simm.s32 $0x0  }
.LBB2_21:
0x11: {  	s0 =	smul.u32 $0x1A, s14;
	s13 =	sadd.s32 $0x1, s13  }
0x12: {  	s1 =	rddreg [dreg:$0x1];
	p0 =	sne.s32 s13, $0x20  }
.Ltmp3:
0x13: {  	s0 =	sadd.s32 s1, s0;
	(pc) =	sbr.rel @!p0 .LBB2_22-.Ltmp3, $4  }
0x14: {  	[hbm4b:s0+s2] =	stream.linear.scatter [tilespmem:s11], [sflag:$0x1], $0xD0, $0x38;
	[tilespmem:$0x1BA80] =	vst v63  }
0x15: {  	_ =	swait.ge [sflag:s7], $0xD0  }
0x16: {  	[sflag:s7] =	ssyncset.done $0x0  }
0x17: {  	[sflag:s7] =	ssyncadd.s32 $0xFFFFFF30  }
.LBB2_2:
0x18: {  	s14 =	sadd.s32 s5, s13  }
0x19: {  	s0 =	smul.u32 $0x3100, s14;
	_ =	sdelay $0x1  }
0x1a: {  	s15 =	simm.s32 $0x0;
	s0 =	sadd.s32 s4, s0  }
0x1b: {  	[tilespmem:s15], [sflag:$0x1] =	stream.linear.gather [hbm4b:s0+s15], $0x18800, $0x38;
	[tilespmem:$0x1BA80] =	vst v63  }
0x1c: {  	_ =	swait.ge [sflag:s7], $0x18800  }
0x1d: {  	[sflag:s7] =	ssyncset.done $0x0  }
0x1e: {  	s3 =	simm.s32 $0x0;
	s0 =	simm.s32 $0x40;
	[sflag:s7] =	ssyncadd.s32 $0xFFFE7800  }
.LBB2_3:
0x1f: {  	p0 =	sne.s32 s0, $0x4000;
	[tilespmem:s3+$0x18800] =	vst v1;
	s3 =	smov.u32 s0;
	s0 =	sadd.s32 $0x40, s0  }
.Ltmp4:
0x20: {  	(pc) =	sbr.rel @p0 .LBB2_3-.Ltmp4, $2  }
0x21: {  	_ =	sdelay $0x2  }
0x22: {  	s3 =	sshra.s32 s3, $0x2  }
0x23: {  	[tilespmem:s3+$0x18800] =	vst v1  }
.LBB2_5:
0x24: {  	s0 =	sshra.s32 s15, $0x2  }
0x25: {  	v7 =	vld [tilespmem:s0+$0x0];
	_ =	sdelay $0x4  }
0x26: {  	v7 =	vadd.f32 $1.000000000e+00, v7;
	_ =	sdelay $0x1  }
0x27: {  	v7 =	vmul.f32 $2.048000000e+03, v7;
	_ =	sdelay $0x1  }
0x28: {  	v7 =	vtrunc.f32 v7  }
0x29: {  	v7 =	vcvt.f32.s32 v7;
	_ =	sdelay $0x1  }
0x2a: {  	vm0 =	vgt.s32 v7, $0x0  }
0x2b: {  	v7 =	vnsel vm0, $0x0, v7  }
0x2c: {  	v7 =	vmin.u32 v7, $0x1007;
	_ =	sdelay $0x4  }
0x2d: {  	[tilespmem:v7+s8+$0x0] =	vst.idx.add.s32.msk $0xffff, v2  }
0x2e: {  	v7 =	vld [tilespmem:s0+$0x10];
	_ =	sdelay $0x4  }
0x2f: {  	v7 =	vadd.f32 $1.000000000e+00, v7;
	_ =	sdelay $0x1  }
0x30: {  	v7 =	vmul.f32 $2.048000000e+03, v7;
	_ =	sdelay $0x1  }
0x31: {  	v7 =	vtrunc.f32 v7  }
0x32: {  	v7 =	vcvt.f32.s32 v7;
	_ =	sdelay $0x1  }
0x33: {  	vm9 =	vgt.s32 v7, $0x0  }
0x34: {  	v7 =	vnsel vm9, $0x0, v7  }
0x35: {  	v7 =	vmin.u32 v7, $0x1007;
	_ =	sdelay $0x4  }
0x36: {  	[tilespmem:v7+s8+$0x0] =	vst.idx.add.s32.msk $0xffff, v2  }
0x37: {  	v7 =	vld [tilespmem:s0+$0x20];
	_ =	sdelay $0x4  }
0x38: {  	v7 =	vadd.f32 $1.000000000e+00, v7;
	_ =	sdelay $0x1  }
0x39: {  	v7 =	vmul.f32 $2.048000000e+03, v7;
	_ =	sdelay $0x1  }
0x3a: {  	v7 =	vtrunc.f32 v7  }
0x3b: {  	v7 =	vcvt.f32.s32 v7;
	_ =	sdelay $0x1  }
0x3c: {  	vm10 =	vgt.s32 v7, $0x0  }
0x3d: {  	v7 =	vnsel vm10, $0x0, v7  }
0x3e: {  	v7 =	vmin.u32 v7, $0x1007;
	_ =	sdelay $0x4  }
0x3f: {  	[tilespmem:v7+s8+$0x0] =	vst.idx.add.s32.msk $0xffff, v2  }
0x40: {  	v7 =	vld [tilespmem:s0+$0x30];
	_ =	sdelay $0x4  }
0x41: {  	v7 =	vadd.f32 $1.000000000e+00, v7;
	_ =	sdelay $0x1  }
0x42: {  	v7 =	vmul.f32 $2.048000000e+03, v7;
	_ =	sdelay $0x1  }
0x43: {  	v7 =	vtrunc.f32 v7  }
0x44: {  	v7 =	vcvt.f32.s32 v7;
	_ =	sdelay $0x1  }
0x45: {  	vm11 =	vgt.s32 v7, $0x0  }
0x46: {  	v7 =	vnsel vm11, $0x0, v7  }
0x47: {  	v7 =	vmin.u32 v7, $0x1007;
	_ =	sdelay $0x4  }
0x48: {  	[tilespmem:v7+s8+$0x0] =	vst.idx.add.s32.msk $0xffff, v2  }
0x49: {  	v7 =	vld [tilespmem:s0+$0x40];
	_ =	sdelay $0x4  }
0x4a: {  	v7 =	vadd.f32 $1.000000000e+00, v7;
	_ =	sdelay $0x1  }
0x4b: {  	v7 =	vmul.f32 $2.048000000e+03, v7;
	_ =	sdelay $0x1  }
0x4c: {  	v7 =	vtrunc.f32 v7  }
0x4d: {  	v7 =	vcvt.f32.s32 v7;
	_ =	sdelay $0x1  }
0x4e: {  	vm12 =	vgt.s32 v7, $0x0  }
0x4f: {  	v7 =	vnsel vm12, $0x0, v7  }
0x50: {  	v7 =	vmin.u32 v7, $0x1007;
	_ =	sdelay $0x4  }
0x51: {  	[tilespmem:v7+s8+$0x0] =	vst.idx.add.s32.msk $0xffff, v2  }
0x52: {  	v7 =	vld [tilespmem:s0+$0x50];
	_ =	sdelay $0x4  }
0x53: {  	v7 =	vadd.f32 $1.000000000e+00, v7;
	_ =	sdelay $0x1  }
0x54: {  	v7 =	vmul.f32 $2.048000000e+03, v7;
	_ =	sdelay $0x1  }
0x55: {  	v7 =	vtrunc.f32 v7  }
0x56: {  	v7 =	vcvt.f32.s32 v7;
	_ =	sdelay $0x1  }
0x57: {  	vm13 =	vgt.s32 v7, $0x0  }
0x58: {  	v7 =	vnsel vm13, $0x0, v7  }
0x59: {  	v7 =	vmin.u32 v7, $0x1007;
	_ =	sdelay $0x4  }
0x5a: {  	[tilespmem:v7+s8+$0x0] =	vst.idx.add.s32.msk $0xffff, v2  }
0x5b: {  	v7 =	vld [tilespmem:s0+$0x60];
	_ =	sdelay $0x4  }
0x5c: {  	v7 =	vadd.f32 $1.000000000e+00, v7;
	_ =	sdelay $0x1  }
0x5d: {  	v7 =	vmul.f32 $2.048000000e+03, v7;
	_ =	sdelay $0x1  }
0x5e: {  	v7 =	vtrunc.f32 v7  }
0x5f: {  	v7 =	vcvt.f32.s32 v7;
	_ =	sdelay $0x1  }
0x60: {  	vm14 =	vgt.s32 v7, $0x0  }
0x61: {  	v7 =	vnsel vm14, $0x0, v7  }
0x62: {  	v7 =	vmin.u32 v7, $0x1007;
	_ =	sdelay $0x4  }
0x63: {  	[tilespmem:v7+s8+$0x0] =	vst.idx.add.s32.msk $0xffff, v2  }
0x64: {  	v7 =	vld [tilespmem:s0+$0x70];
	_ =	sdelay $0x4  }
0x65: {  	v7 =	vadd.f32 $1.000000000e+00, v7;
	_ =	sdelay $0x1  }
0x66: {  	v7 =	vmul.f32 $2.048000000e+03, v7;
	_ =	sdelay $0x1  }
0x67: {  	v7 =	vtrunc.f32 v7  }
0x68: {  	v7 =	vcvt.f32.s32 v7;
	_ =	sdelay $0x1  }
0x69: {  	vm15 =	vgt.s32 v7, $0x0  }
0x6a: {  	v7 =	vnsel vm15, $0x0, v7  }
0x6b: {  	p0 =	sne.s32 s15, $0x61E00;
	v7 =	vmin.u32 v7, $0x1007  }
.Ltmp5:
0x6c: {  	_ = 	snop;
	(pc) =	sbr.rel @p0 .LBB2_5-.Ltmp5, $2  }
0x6d: {  	_ =	sdelay $0x2  }
0x6e: {  	s15 =	sadd.s32 $0x200, s15;
	[tilespmem:v7+s8+$0x0] =	vst.idx.add.s32.msk $0xffff, v2  }
0x6f: {  	s0 =	simm.s32 $0x19800  }
0x70: {  	v7 =	vld [tilespmem:s0+$0x0];
	_ =	sdelay $0x4  }
0x71: {  	s6 =	simm.s32 $0x197F0;
	(xrf0) =	vadd.scan.msk.s32 $0xffff, v7  }
0x72: {  	v8 =	vld [tilespmem:s6+$0x0]  }
0x73: {  	v7 =	vperm.xlane v7, v3;
	_ =	sdelay $0x2  }
0x74: {  	(xrf0) =	vadd.scan.msk.s32 $0xffff, v7  }
0x75: {  	(xrf0) =	vadd.scan.msk.s32 $0xffff, v8;
	v7, _, _ =	vpop (xrf0)  }
0x76: {  	(v2sf) =	vpush v7, $0xF  }
0x77: {  	s12 =	simm.s32 $0x197E0  }
0x78: {  	v7 =	vld [tilespmem:s12+$0x0];
	_ =	sdelay $0x1  }
0x79: {  	v8 =	vperm.xlane v8, v3;
	v9, _, _ =	vpop (xrf0)  }
0x7a: {  	v9 =	vperm.xlane v9, v3;
	v10, _, _ =	vpop (xrf0)  }
0x7b: {  	s16 =	simm.s32 $0x0;
	(xrf0) =	vadd.scan.msk.s32 $0xffff, v8;
	(v2sf) =	vpush v10, $0xF  }
0x7c: {  	v8 =	vadd.s32 s16, v9;
	(xrf0) =	vadd.scan.msk.s32 $0xffff, v7  }
0x7d: {  	vm0 =	vgt.s32 v8, $0xC7  }
0x7e: {  	v9 =	vnsel vm0, $0x7FFFFFFF, v4;
	_ =	sdelay $0x1  }
0x7f: {  	(xrf0) =	vmax.scan.msk.u32 $0xffff, v9  }
0x80: {  	v7 =	vperm.xlane v7, v3;
	v9, _, _ =	vpop (xrf0)  }
0x81: {  	s15 =	simm.s32 $0x197D0;
	v10, _, _ =	vpop (xrf0)  }
0x82: {  	(xrf0) =	vadd.scan.msk.s32 $0xffff, v7;
	(v2sf) =	vpush v10, $0xF;
	v10 =	vld [tilespmem:s15+$0x0]  }
0x83: {  	v7 =	vperm.xlane v9, v3;
	s17 =	spop (v2sf)  }
0x84: {  	s0 =	sadd.s32 $0x0, s17  }
0x85: {  	v9, _, _ =	vpop (xrf0);
	v7 =	vadd.s32 s0, v7  }
0x86: {  	(v2sf) =	vpush v9, $0xF;
	vm6 =	vgt.s32 v7, $0xC7  }
0x87: {  	s3 =	simm.s32 $0x197C0;
	(xrf0) =	vadd.scan.msk.s32 $0xffff, v10;
	v9 =	vnsel vm6, $0x7FFFFFFF, v4  }
0x88: {  	v11, _, _ =	vpop (xrf0);
	(xrf0) =	vmax.scan.msk.u32 $0xffff, v9;
	v9 =	vld [tilespmem:s3+$0x0]  }
0x89: {  	v11 =	vperm.xlane v11, v3;
	v10 =	vperm.xlane v10, v3;
	s18 =	spop (v2sf)  }
0x8a: {  	s0 =	sadd.s32 s0, s18  }
0x8b: {  	(xrf0) =	vadd.scan.msk.s32 $0xffff, v10;
	v10 =	vadd.s32 s0, v11  }
0x8c: {  	vm7 =	vgt.s32 v10, $0xC7  }
0x8d: {  	v11, _, _ =	vpop (xrf0);
	v12 =	vnsel vm7, $0x7FFFFFFF, v4;
	(xrf0) =	vadd.scan.msk.s32 $0xffff, v9  }
0x8e: {  	(v2sf) =	vpush v11, $0xF;
	v11, _, _ =	vpop (xrf0);
	(xrf0) =	vmax.scan.msk.u32 $0xffff, v12;
	_ =	sdelay $0x1  }
0x8f: {  	v9 =	vperm.xlane v9, v3;
	(v2sf) =	vpush v11, $0xF  }
0x90: {  	s19 =	simm.s32 $0x197B0  }
0x91: {  	v11 =	vld [tilespmem:s19+$0x0];
	v55, _, _ =	vpop (xrf0)  }
0x92: {  	s20 =	spop (v2sf);
	v12 =	vperm.xlane v55, v3;
	v13, _, _ =	vpop (xrf0)  }
0x93: {  	(xrf0) =	vadd.scan.msk.s32 $0xffff, v9;
	s3 =	sadd.s32 s0, s20;
	(v2sf) =	vpush v13, $0xF;
	v9, _, _ =	vpop (xrf0)  }
0x94: {  	s21 =	spop (v2sf);
	v12 =	vadd.s32 s3, v12;
	(v2sf) =	vpush v9, $0xF  }
0x95: {  	s6 =	sxor.u32 $0x80000000, s21;
	vm8 =	vgt.s32 v12, $0xC7  }
0x96: {  	(xrf0) =	vadd.scan.msk.s32 $0xffff, v11;
	v56 =	vnsel vm8, $0x7FFFFFFF, v4;
	v9 =	vmov s6  }
0x97: {  	v8 =	vxor.u32 $0x80000000, v8;
	(xrf0) =	vmax.scan.msk.u32 $0xffff, v56;
	vm9 =	veq.s32 v9, v0  }
0x98: {  	v8 =	vnsel vm9, $0x80000000, v8  }
0x99: {  	(xrf0) =	vmax.scan.msk.u32 $0xffff, v8;
	_ =	sdelay $0x1  }
0x9a: {  	s22 =	simm.s32 $0x197A0;
	v9 =	vperm.xlane v11, v3;
	v8, _, _ =	vpop (xrf0)  }
0x9b: {  	v57 =	vld [tilespmem:s22+$0x0];
	v11, _, _ =	vpop (xrf0);
	s23 =	spop (v2sf);
	v8 =	vperm.xlane v8, v3  }
0x9c: {  	(v2sf) =	vpush v11, $0xF;
	v11, _, _ =	vpop (xrf0);
	(xrf0) =	vadd.scan.msk.s32 $0xffff, v9;
	s3 =	sadd.s32 s3, s23  }
0x9d: {  	v9 =	vadd.s32 s3, v8;
	s28 =	spop (v2sf)  }
0x9e: {  	(v2sf) =	vpush v11, $0xF;
	v11, _, _ =	vpop (xrf0);
	vm10 =	vgt.s32 v9, $0xC7;
	s24 =	sxor.u32 $0x80000000, s28  }
0x9f: {  	(v2sf) =	vpush v11, $0xF;
	v11 =	vnsel vm10, $0x7FFFFFFF, v4;
	v8 =	vmov s24  }
0xa0: {  	v7 =	vxor.u32 $0x80000000, v7;
	(xrf0) =	vadd.scan.msk.s32 $0xffff, v57;
	vm11 =	veq.s32 v8, v0  }
0xa1: {  	s25 =	simm.s32 $0x19790;
	v13 =	vperm.xlane v57, v3;
	(xrf0) =	vmax.scan.msk.u32 $0xffff, v11;
	v7 =	vnsel vm11, $0x80000000, v7;
	s26 =	spop (v2sf)  }
0xa2: {  	v8 =	vld [tilespmem:s25+$0x0];
	v11, _, _ =	vpop (xrf0);
	(xrf0) =	vmax.scan.msk.u32 $0xffff, v7;
	s17 =	spop (v2sf)  }
0xa3: {  	v7 =	vperm.xlane v11, v3;
	(xrf0) =	vadd.scan.msk.s32 $0xffff, v13;
	s1 =	sxor.u32 $0x80000000, s17  }
0xa4: {  	s3 =	sadd.s32 s3, s26;
	v11 =	vmov s1  }
0xa5: {  	v7 =	vadd.s32 s3, v7  }
0xa6: {  	v58, _, _ =	vpop (xrf0);
	vm12 =	vgt.s32 v7, $0xC7  }
0xa7: {  	v10 =	vxor.u32 $0x80000000, v10;
	(xrf0) =	vadd.scan.msk.s32 $0xffff, v8;
	v14 =	vnsel vm12, $0x7FFFFFFF, v4;
	vm13 =	veq.s32 v11, v0;
	v11, _, _ =	vpop (xrf0)  }
0xa8: {  	(xrf0) =	vmax.scan.msk.u32 $0xffff, v14;
	v10 =	vnsel vm13, $0x80000000, v10;
	v59, _, _ =	vpop (xrf0)  }
0xa9: {  	(v2sf) =	vpush v58, $0xF;
	(xrf0) =	vmax.scan.msk.u32 $0xffff, v10;
	v60, _, _ =	vpop (xrf0)  }
0xaa: {  	(v2sf) =	vpush v11, $0xF;
	v11 =	vperm.xlane v60, v3;
	_ =	sdelay $0x1  }
0xab: {  	s12 =	spop (v2sf);
	(v2sf) =	vpush v59, $0xF  }
0xac: {  	p1 =	por $0x1, $0x1;
	s26 =	simm.s32 $0x19780;
	v61 =	vperm.xlane v8, v3;
	v8, _, _ =	vpop (xrf0);
	s31 =	sadd.s32 s3, s12  }
0xad: {  	s22 =	simm.s32 $0x0;
	s18 =	simm.s32 $0x80000FA0;
	p0 =	slt.s32 s21, $0x0;
	v10 =	vld [tilespmem:s26+$0x0];
	(v2sf) =	vpush v8, $0xF;
	v8 =	vadd.s32 s31, v11;
	v11, _, _ =	vpop (xrf0)  }
0xae: {  	s19 =	simm.s32 $0x80000F90;
	s20 =	simm.s32 $0x80000FB0;
	p1 =	por !p1, !p0;
	(v2sf) =	vpush v11, $0xF;
	v11, _, _ =	vpop (xrf0)  }
0xaf: {  	p1 =	por !p1, !p1;
	s6 =	sadd.s32 $0x80001000, s21;
	s29 =	spop (v2sf);
	(v2sf) =	vpush v11, $0xF  }
0xb0: {  	s21 =	simm.s32 $0x80000F80;
	s22 =	smov.u32 @p1 s6;
	s12 =	sxor.u32 $0x80000000, s29  }
0xb1: {  	s23 =	simm.s32 $0x80000FC0;
	s25 =	sadd.s32 $0x80000FF0, s28;
	(xrf0) =	vadd.scan.msk.s32 $0xffff, v61;
	s15 =	spop (v2sf);
	v62 =	vmov s12;
	vm14 =	vgt.s32 v8, $0xC7  }
0xb2: {  	v12 =	vxor.u32 $0x80000000, v12;
	s24 =	sadd.s32 $0x80000FE0, s17;
	s0 =	sxor.u32 $0x80000000, s15;
	s15 =	simm.s32 $0x0;
	vm15 =	veq.s32 v62, v0;
	(xrf0) =	vadd.scan.msk.s32 $0xffff, v10;
	v63 =	vnsel vm14, $0x7FFFFFFF, v4  }
0xb3: {  	s30 =	sadd.s32 $0x80000FD0, s29;
	s15 =	smov.u32 @p1 s0;
	s0 =	simm.s32 $0x80000F70;
	(xrf0) =	vmax.scan.msk.u32 $0xffff, v63;
	v11 =	vnsel vm15, $0x80000000, v12  }
.LBB2_7:
0xb4: {  	p1 =	sne.s32 s0, $0x80000000  }
0xb5: {  	s3 =	smov.u32 s30;
	s6 =	smov.u32 s23;
	s23 =	smov.u32 s20  }
0xb6: {  	(xrf0) =	vmax.scan.msk.u32 $0xffff, v11;
	s20 =	smov.u32 s18;
	s18 =	smov.u32 s19;
	s26 =	sadd.s32 $0xFFFFFFF0, s26  }
0xb7: {  	s19 =	smov.u32 s21;
	s21 =	smov.u32 s0;
	s16 =	simm.s32 @p0 $0x1  }
0xb8: {  	p0 =	slt.s32 s28, $0x0;
	p2 =	seq.s32 s16, $0x0;
	v11 =	vld [tilespmem:s26+$0x0];
	v12, _, _ =	vpop (xrf0);
	s12 =	spop (v2sf)  }
0xb9: {  	v14 =	vperm.xlane v10, v3;
	p2 =	por !p2, !p0;
	v12 =	vperm.xlane v12, v3;
	s1 =	spop (v2sf)  }
.Ltmp6:
0xba: {  	s31 =	sadd.s32 s31, s12;
	v13, _, _ =	vpop (xrf0);
	s12 =	spop (v2sf);
	(pc) =	sbr.rel @p1 .LBB2_7-.Ltmp6, $4  }
0xbb: {  	v9 =	vxor.u32 $0x80000000, v9;
	p2 =	por !p2, !p2;
	s28 =	sxor.u32 $0x80000000, s1;
	(xrf0) =	vadd.scan.msk.s32 $0xffff, v14;
	(v2sf) =	vpush v13, $0xF;
	v12 =	vadd.s32 s31, v12;
	v10, _, _ =	vpop (xrf0);
	s12 =	sxor.u32 $0x80000000, s12  }
0xbc: {  	s30 =	sadd.s32 s6, s1;
	s22 =	smov.u32 @p2 s25;
	v15 =	vmov s28;
	vm0 =	vgt.s32 v12, $0xC7;
	(v2sf) =	vpush v10, $0xF;
	v13, _, _ =	vpop (xrf0);
	s15 =	smov.u32 @p2 s12  }
0xbd: {  	s28 =	smov.u32 s17;
	s17 =	smov.u32 s29;
	s29 =	smov.u32 s1;
	(xrf0) =	vadd.scan.msk.s32 $0xffff, v11;
	v14 =	vnsel vm0, $0x7FFFFFFF, v4;
	vm0 =	veq.s32 v15, v0;
	(v2sf) =	vpush v13, $0xF;
	v10 =	vmovc v11  }
0xbe: {  	s0 =	sadd.s32 $0xFFFFFFF0, s0;
	s25 =	smov.u32 s24;
	s24 =	smov.u32 s3;
	(xrf0) =	vmax.scan.msk.u32 $0xffff, v14;
	v11 =	vnsel vm0, $0x80000000, v9;
	v9 =	vmovc v7;
	v7 =	vmov v8;
	v8 =	vmov v12  }
0xbf: {  	v10 =	vperm.xlane v10, v3;
	_ =	sdelay $0x2  }
0xc0: {  	(xrf0) =	vmax.scan.msk.u32 $0xffff, v11  }
0xc1: {  	(xrf0) =	vadd.scan.msk.s32 $0xffff, v10;
	v10, _, _ =	vpop (xrf0)  }
0xc2: {  	v10 =	vperm.xlane v10, v3;
	_ =	sdelay $0x1  }
0xc3: {  	s0 =	spop (v2sf)  }
0xc4: {  	s1 =	sadd.s32 s31, s0;
	v11, _, _ =	vpop (xrf0)  }
0xc5: {  	v12 =	vadd.s32 s1, v10;
	v10, _, _ =	vpop (xrf0)  }
0xc6: {  	s0 =	spop (v2sf);
	vm0 =	vgt.s32 v12, $0xC7;
	v13, _, _ =	vpop (xrf0)  }
0xc7: {  	s26 =	spop (v2sf);
	v14 =	vnsel vm0, $0x7FFFFFFF, v4;
	v15, _, _ =	vpop (xrf0)  }
0xc8: {  	s3 =	sxor.u32 $0x80000000, s0;
	(xrf0) =	vmax.scan.msk.u32 $0xffff, v14;
	s12 =	spop (v2sf);
	v14 =	vperm.xlane v15, v3  }
0xc9: {  	v16 =	vmov s3;
	s1 =	sadd.s32 s1, s12  }
0xca: {  	v9 =	vxor.u32 $0x80000000, v9;
	vm0 =	veq.s32 v16, v0;
	v14 =	vadd.s32 s1, v14  }
0xcb: {  	v9 =	vnsel vm0, $0x80000000, v9;
	vm0 =	vgt.s32 v14, $0xC7  }
0xcc: {  	(xrf0) =	vmax.scan.msk.u32 $0xffff, v9;
	v9 =	vnsel vm0, $0x7FFFFFFF, v4  }
0xcd: {  	(xrf0) =	vmax.scan.msk.u32 $0xffff, v9  }
0xce: {  	(v2sf) =	vpush v11, $0xF  }
0xcf: {  	(v2sf) =	vpush v10, $0xF  }
0xd0: {  	(v2sf) =	vpush v13, $0xF;
	v9, _, _ =	vpop (xrf0)  }
0xd1: {  	(v2sf) =	vpush v9, $0xF  }
0xd2: {  	s16 =	simm.s32 @p0 $0x1;
	p0 =	slt.s32 s28, $0x0;
	v9, _, _ =	vpop (xrf0)  }
0xd3: {  	p1 =	seq.s32 s16, $0x0;
	s16 =	simm.s32 @p0 $0x1;
	(v2sf) =	vpush v9, $0xF;
	v9, _, _ =	vpop (xrf0)  }
0xd4: {  	p2 =	slt.s32 s17, $0x0;
	p3 =	seq.s32 s16, $0x0;
	(v2sf) =	vpush v9, $0xF  }
0xd5: {  	p4 =	por !p1, !p0;
	p0 =	por !p3, !p2  }
0xd6: {  	s16 =	simm.s32 @p2 $0x1;
	s1 =	simm.s32 @!p0 $0x0  }
0xd7: {  	p2 =	seq.s32 s16, $0x0;
	s1 =	simm.s32 @p0 $0x1;
	p0 =	slt.s32 s29, $0x0  }
0xd8: {  	s3 =	spop (v2sf);
	s16 =	simm.s32 @p0 $0x1;
	p0 =	por !p2, !p0  }
0xd9: {  	s28 =	spop (v2sf);
	p3 =	slt.s32 s3, $0x0;
	s12 =	simm.s32 @!p0 $0x0  }
0xda: {  	[smem:$0x7FA] =	sst s1;
	s12 =	simm.s32 @p0 $0x1;
	p0 =	slt.s32 s0, $0x0  }
0xdb: {  	s1 =	sxor.u32 $0x80000000, s3;
	p1 =	seq.s32 s16, $0x0;
	s16 =	simm.s32 @p0 $0x1  }
0xdc: {  	[smem:$0x7FB] =	sst s12;
	p6 =	seq.s32 s16, $0x0;
	s16 =	simm.s32 @p3 $0x1  }
0xdd: {  	p5 =	por !p1, !p0;
	s17 =	spop (v2sf);
	p2 =	seq.s32 s16, $0x0  }
0xde: {  	p6 =	por !p6, !p3;
	s17 =	simm.s32 $0x20;
	v9 =	vmov s1;
	s6 =	spop (v2sf)  }
0xdf: {  	v7 =	vxor.u32 $0x80000000, v7;
	vm0 =	veq.s32 v9, v0;
	s29 =	spop (v2sf);
	s31 =	sxor.u32 $0x80000000, s6;
	p0 =	slt.s32 s6, $0x0  }
0xe0: {  	v7 =	vnsel vm0, $0x80000000, v7;
	v9 =	vmov s31;
	s16 =	simm.s32 @p0 $0x1;
	p2 =	por !p2, !p0;
	s12 =	spop (v2sf)  }
0xe1: {  	(xrf0) =	vmax.scan.msk.u32 $0xffff, v7;
	v7 =	vxor.u32 $0x80000000, v8;
	vm0 =	veq.s32 v9, v0;
	p0 =	seq.s32 s16, $0x0;
	s1 =	sxor.u32 $0x80000000, s12;
	p1 =	slt.s32 s12, $0x0  }
0xe2: {  	v10 =	vld [tilespmem:s17+$0xFFFFFFE0];
	v7 =	vnsel vm0, $0x80000000, v7;
	s31 =	spop (v2sf);
	p3 =	por !p0, !p1;
	p0 =	por !p4, !p4  }
0xe3: {  	v11 =	vld [tilespmem:s17+$0xFFFFFFF0];
	(xrf0) =	vmax.scan.msk.u32 $0xffff, v7;
	v8 =	vmov s1;
	s1 =	spop (v2sf);
	[smem:$0x7F9] =	sst s0;
	s0 =	simm.s32 @!p0 $0x0  }
0xe4: {  	s0 =	simm.s32 @p0 $0x1  }
0xe5: {  	[smem:$0x7FC] =	sst s0  }
0xe6: {  	s0 =	sld [smem:$0x7F9]  }
0xe7: {  	s22 =	smov.u32 @p0 s25;
	s25 =	sld [smem:$0x7FA]  }
0xe8: {  	s16 =	simm.s32 @p1 $0x1  }
0xe9: {  	v9 =	vxor.u32 $0x80000000, v12;
	vm0 =	veq.s32 v8, v0;
	p1 =	seq.s32 s16, $0x0;
	p4 =	slt.s32 s1, $0x0  }
0xea: {  	v7 =	vnsel vm0, $0x80000000, v9;
	p1 =	por !p1, !p4;
	p4 =	seq.s32 s25, $0x1;
	s25 =	sld [smem:$0x7FB]  }
0xeb: {  	(xrf0) =	vmax.scan.msk.u32 $0xffff, v7;
	v7 =	vadd.f32 $1.000000000e+00, v10;
	_ =	sdelay $0x1  }
0xec: {  	v12 =	vmul.f32 $2.048000000e+03, v7;
	v7 =	vld [tilespmem:s17+$0x10];
	p0 =	por !p4, !p4;
	p4 =	seq.s32 s25, $0x1  }
0xed: {  	v9, _, _ =	vpop (xrf0);
	v8 =	vld [tilespmem:s17+$0x0];
	s22 =	smov.u32 @p0 s24;
	p4 =	por !p4, !p4  }
0xee: {  	s3 =	sadd.s32 s20, s3;
	v13 =	vadd.f32 $1.000000000e+00, v11;
	(v2sf) =	vpush v9, $0xF;
	s22 =	smov.u32 @p4 s30;
	s30 =	sxor.u32 $0x80000000, s1  }
0xef: {  	p5 =	por !p5, !p5;
	v9 =	vxor.u32 $0x80000000, v14;
	s0 =	sadd.s32 s23, s0;
	v12 =	vtrunc.f32 v12;
	s16 =	simm.s32 @!p0 $0x0;
	v14 =	vmov s30  }
0xf0: {  	v13 =	vmul.f32 $2.048000000e+03, v13;
	v15, _, _ =	vpop (xrf0);
	v12 =	vcvt.f32.s32 v12;
	s16 =	simm.s32 @p0 $0x1;
	p0 =	por !p6, !p6;
	s22 =	smov.u32 @p5 s0;
	vm0 =	veq.s32 v14, v0  }
0xf1: {  	(v2sf) =	vpush v15, $0xF;
	p6 =	por !p2, !p2;
	v15 =	vadd.f32 $1.000000000e+00, v7;
	s0 =	sadd.s32 s18, s6;
	s22 =	smov.u32 @p0 s3;
	v9 =	vnsel vm0, $0x80000000, v9  }
0xf2: {  	p3 =	por !p3, !p3;
	s3 =	sadd.s32 s19, s12;
	s22 =	smov.u32 @p6 s0;
	vm0 =	vgt.s32 v12, $0x0;
	v14, _, _ =	vpop (xrf0);
	(xrf0) =	vmax.scan.msk.u32 $0xffff, v9;
	v9 =	vtrunc.f32 v13;
	v13 =	vadd.f32 $1.000000000e+00, v8  }
0xf3: {  	p1 =	por !p1, !p1;
	s0 =	sadd.s32 s21, s1;
	s22 =	smov.u32 @p3 s3;
	v12 =	vnsel vm0, $0x0, v12;
	(v2sf) =	vpush v14, $0xF;
	v14 =	vcvt.f32.s32 v9  }
0xf4: {  	v15 =	vmul.f32 $2.048000000e+03, v15;
	s22 =	smov.u32 @p1 s0;
	v12 =	vmin.u32 v12, $0x1007  }
0xf5: {  	v9 =	vmov s22;
	v13 =	vmul.f32 $2.048000000e+03, v13;
	vm0 =	vgt.s32 v14, $0x0  }
0xf6: {  	vm3 =	vge.s32 v12, v9;
	v12 =	vnsel vm0, $0x0, v14  }
0xf7: {  	v15 =	vtrunc.f32 v15;
	v13 =	vtrunc.f32 v13;
	v12 =	vmin.u32 v12, $0x1007  }
0xf8: {  	v14 =	vsel vm3, $0x1, v1;
	vm2 =	vge.s32 v12, v9;
	v12 =	vcvt.f32.s32 v15  }
0xf9: {  	v13 =	vcvt.f32.s32 v13;
	(xrf0) =	vadd.scan.msk.s32 $0xffff, v14  }
0xfa: {  	v14 =	vsel vm2, $0x1, v1;
	vm1 =	vgt.s32 v12, $0x0  }
0xfb: {  	v61, _, _ =	vpop (xrf0);
	vm0 =	vgt.s32 v13, $0x0;
	(xrf0) =	vadd.scan.msk.s32 $0xffff, v14;
	v12 =	vnsel vm1, $0x0, v12  }
0xfc: {  	(v2sf) =	vpush v61, $0xF;
	v13 =	vnsel vm0, $0x0, v13;
	v12 =	vmin.u32 v12, $0x1007  }
0xfd: {  	v13 =	vmin.u32 v13, $0x1007  }
0xfe: {  	v14 =	vimm.s32 $0x0;
	vm1 =	vge.s32 v13, v9  }
0xff: {  	v13 =	vmpcnt.ones.xlane vm3;
	v15 =	vsel vm1, $0x1, v1;
	vm0 =	vge.s32 v12, v9;
	v12, _, _ =	vpop (xrf0)  }
0x100: {  	(xrf0) =	vadd.scan.msk.s32 $0xffff, v15;
	v12 =	vadd.s32 v12, v14  }
0x101: {  	[smem:$0x7FD] =	sst s16;
	v15 =	vsel vm0, $0x1, v1;
	v13 =	vadd.s32 v14, v13;
	v14, _, _ =	vpop (xrf0);
	v12 =	vadd.s32 $0xFFFFFFFF, v12  }
0x102: {  	s22 =	sld [smem:$0x7FC];
	(xrf0) =	vadd.scan.msk.s32 $0xffff, v15;
	v15 =	vmpcnt.ones.xlane vm2;
	v14 =	vadd.s32 v14, v13;
	vm4 =	vlt.s32 v12, $0xFFF  }
0x103: {  	s23 =	sld [smem:$0x7FD];
	v14 =	vadd.s32 $0xFFFFFFFF, v14;
	v12 =	vnsel vm4, $0xFFF, v12  }
0x104: {  	vm14 =	vlt.s32 v14, $0xFFF  }
0x105: {  	s30 =	simm.s32 $0x10;
	s0 =	sxor.u32 $0x80000000, s26;
	p2 =	seq.s32 s22, $0x1;
	v14 =	vnsel vm14, $0xFFF, v14  }
0x106: {  	s15 =	smov.u32 @p2 s0;
	s0 =	sxor.u32 $0x80000000, s28;
	p2 =	seq.s32 s23, $0x1;
	v62 =	vmpcnt.ones.xlane vm1;
	v13 =	vadd.s32 v13, v15;
	v15, _, _ =	vpop (xrf0)  }
0x107: {  	s26 =	simm.s32 $0x0;
	s15 =	smov.u32 @p2 s0;
	s0 =	sxor.u32 $0x80000000, s29;
	v15 =	vadd.s32 v15, v13  }
0x108: {  	s24 =	spop (v2sf);
	s15 =	smov.u32 @p4 s0;
	s0 =	sxor.u32 $0x80000000, s31;
	v13 =	vadd.s32 v13, v62;
	v63, _, _ =	vpop (xrf0);
	v15 =	vadd.s32 $0xFFFFFFFF, v15;
	[tilespmem:v12+s9+$0x0] =	vst.idx.msk vm3, v10;
	v10 =	vor.u32 s26, v0  }
0x109: {  	s25 =	spop (v2sf);
	s15 =	smov.u32 @p5 s0;
	s0 =	sxor.u32 $0x80000000, s24;
	v16 =	vadd.s32 v63, v13;
	vm15 =	vlt.s32 v15, $0xFFF;
	[tilespmem:v12+s10+$0x0] =	vst.idx.msk vm3, v10  }
0x10a: {  	s15 =	smov.u32 @p0 s0;
	s0 =	sxor.u32 $0x80000000, s25;
	v17 =	vmpcnt.ones.xlane vm0;
	s28 =	spop (v2sf);
	v16 =	vadd.s32 $0xFFFFFFFF, v16;
	[tilespmem:v14+s9+$0x0] =	vst.idx.msk vm2, v11;
	v11 =	vnsel vm15, $0xFFF, v15  }
0x10b: {  	s15 =	smov.u32 @p6 s0;
	s0 =	sxor.u32 $0x80000000, s28;
	s29 =	spop (v2sf);
	vm3 =	vlt.s32 v16, $0xFFF  }
0x10c: {  	s31 =	simm.s32 $0x30;
	s15 =	smov.u32 @p3 s0;
	s0 =	sxor.u32 $0x80000000, s29;
	v10 =	vadd.s32 v13, v17;
	v13 =	vor.u32 s30, v0;
	v12 =	vnsel vm3, $0xFFF, v16  }
0x10d: {  	s16 =	simm.s32 $0x70;
	s15 =	smov.u32 @p1 s0;
	s0 =	simm.s32 $0x20;
	[tilespmem:v14+s10+$0x0] =	vst.idx.msk vm2, v13;
	v13 =	vor.u32 s31, v0  }
.LBB2_9:
0x10e: {  	p0 =	sne.s32 s16, $0x187F0  }
0x10f: {  	[tilespmem:v11+s9+$0x0] =	vst.idx.msk vm1, v8;
	v8 =	vor.u32 s0, v0;
	s17 =	sadd.s32 $0x40, s17;
	s18 =	smov.u32 s16;
	s16 =	sadd.s32 $0x40, s16  }
0x110: {  	[tilespmem:v11+s10+$0x0] =	vst.idx.msk vm1, v8  }
0x111: {  	[tilespmem:v12+s9+$0x0] =	vst.idx.msk vm0, v7  }
0x112: {  	[tilespmem:v12+s10+$0x0] =	vst.idx.msk vm0, v13  }
0x113: {  	v12 =	vld [tilespmem:s17+$0xFFFFFFE0]  }
0x114: {  	v13 =	vld [tilespmem:s17+$0xFFFFFFF0]  }
0x115: {  	v7 =	vld [tilespmem:s17+$0x10];
	_ =	sdelay $0x1  }
0x116: {  	v8 =	vld [tilespmem:s17+$0x0]  }
0x117: {  	v11 =	vadd.f32 $1.000000000e+00, v12;
	_ =	sdelay $0x1  }
0x118: {  	v14 =	vadd.f32 $1.000000000e+00, v13;
	v11 =	vmul.f32 $2.048000000e+03, v11;
	v15 =	vadd.f32 $1.000000000e+00, v7;
	_ =	sdelay $0x1  }
0x119: {  	v14 =	vmul.f32 $2.048000000e+03, v14;
	v11 =	vtrunc.f32 v11;
	v16 =	vadd.f32 $1.000000000e+00, v8  }
0x11a: {  	v15 =	vmul.f32 $2.048000000e+03, v15;
	v11 =	vcvt.f32.s32 v11  }
0x11b: {  	v14 =	vtrunc.f32 v14;
	v16 =	vmul.f32 $2.048000000e+03, v16  }
0x11c: {  	v14 =	vcvt.f32.s32 v14;
	v15 =	vtrunc.f32 v15;
	vm0 =	vgt.s32 v11, $0x0  }
0x11d: {  	v15 =	vcvt.f32.s32 v15;
	v11 =	vnsel vm0, $0x0, v11;
	v16 =	vtrunc.f32 v16  }
0x11e: {  	vm0 =	vgt.s32 v14, $0x0;
	v11 =	vmin.u32 v11, $0x1007;
	v16 =	vcvt.f32.s32 v16  }
0x11f: {  	vm2 =	vge.s32 v11, v9;
	v11 =	vnsel vm0, $0x0, v14;
	vm0 =	vgt.s32 v15, $0x0  }
0x120: {  	v14 =	vsel vm2, $0x1, v1;
	v11 =	vmin.u32 v11, $0x1007;
	vm1 =	vgt.s32 v16, $0x0  }
0x121: {  	v15 =	vnsel vm0, $0x0, v15;
	vm3 =	vge.s32 v11, v9;
	v11 =	vnsel vm1, $0x0, v16;
	(xrf0) =	vadd.scan.msk.s32 $0xffff, v14  }
0x122: {  	v15 =	vmin.u32 v15, $0x1007;
	v14 =	vsel vm3, $0x1, v1;
	v11 =	vmin.u32 v11, $0x1007  }
0x123: {  	v16 =	vmpcnt.ones.xlane vm2;
	v17 =	vmpcnt.ones.xlane vm3;
	vm1 =	vge.s32 v11, v9;
	(xrf0) =	vadd.scan.msk.s32 $0xffff, v14  }
0x124: {  	v11 =	vsel vm1, $0x1, v1  }
0x125: {  	vm0 =	vge.s32 v15, v9;
	(xrf0) =	vadd.scan.msk.s32 $0xffff, v11  }
0x126: {  	v11 =	vsel vm0, $0x1, v1  }
0x127: {  	v14, _, _ =	vpop (xrf0);
	(xrf0) =	vadd.scan.msk.s32 $0xffff, v11  }
0x128: {  	v11 =	vadd.s32 v14, v10  }
0x129: {  	v10 =	vadd.s32 v10, v16;
	v11 =	vadd.s32 $0xFFFFFFFF, v11;
	v14, _, _ =	vpop (xrf0)  }
0x12a: {  	vm4 =	vlt.s32 v11, $0xFFF;
	v18 =	vadd.s32 v14, v10;
	v10 =	vadd.s32 v10, v17  }
0x12b: {  	v15 =	vmpcnt.ones.xlane vm1;
	v16 =	vnsel vm4, $0xFFF, v11;
	v11 =	vadd.s32 $0xFFFFFFFF, v18;
	v14, _, _ =	vpop (xrf0)  }
0x12c: {  	v17 =	vmpcnt.ones.xlane vm0;
	vm4 =	vlt.s32 v11, $0xFFF;
	v19 =	vadd.s32 v14, v10  }
0x12d: {  	v10 =	vadd.s32 v10, v15;
	v18 =	vnsel vm4, $0xFFF, v11;
	v11 =	vadd.s32 $0xFFFFFFFF, v19;
	v14, _, _ =	vpop (xrf0)  }
0x12e: {  	vm4 =	vlt.s32 v11, $0xFFF;
	v14 =	vadd.s32 v14, v10;
	v10 =	vadd.s32 v10, v17  }
.Ltmp7:
0x12f: {  	s0 =	sadd.s32 $0xFFFFFFD0, s18;
	v11 =	vnsel vm4, $0xFFF, v11;
	v14 =	vadd.s32 $0xFFFFFFFF, v14;
	(pc) =	sbr.rel @p0 .LBB2_9-.Ltmp7, $4  }
0x130: {  	[tilespmem:v16+s9+$0x0] =	vst.idx.msk vm2, v12;
	v12 =	vor.u32 s0, v0;
	vm4 =	vlt.s32 v14, $0xFFF  }
0x131: {  	s0 =	sadd.s32 $0xFFFFFFE0, s18;
	[tilespmem:v16+s10+$0x0] =	vst.idx.msk vm2, v12;
	v12 =	vnsel vm4, $0xFFF, v14  }
0x132: {  	[tilespmem:v18+s9+$0x0] =	vst.idx.msk vm3, v13;
	v13 =	vor.u32 s0, v0  }
0x133: {  	s0 =	sadd.s32 $0xFFFFFFF0, s18;
	[tilespmem:v18+s10+$0x0] =	vst.idx.msk vm3, v13;
	v13 =	vor.u32 s18, v0  }
0x134: {  	p0 =	slt.s32 s15, $0x1000  }
0x135: {  	p1 =	slt.s32 s15, $0xFFFFFFF2;
	s15 =	simm.s32 @!p0 $0x1000  }
0x136: {  	s1 =	sadd.s32 $0xF, s15  }
0x137: {  	s3 =	sand.u32 $0xF, s1  }
0x138: {  	s6 =	sshra.s32 s1, $0x1F;
	p4 =	sne.s32 s3, $0x0  }
0x139: {  	s25 =	sshrl.u32 s6, $0x1C;
	p0 =	por !p1, !p4  }
0x13a: {  	[tilespmem:v11+s9+$0x0] =	vst.idx.msk vm1, v8;
	v8 =	vor.u32 s0, v0;
	s26 =	sadd.s32 s25, s1;
	s1 =	simm.s32 $0x1;
	p0 =	por !p0, !p0  }
0x13b: {  	[tilespmem:v11+s10+$0x0] =	vst.idx.msk vm1, v8;
	s0 =	sshra.s32 s26, $0x4;
	s1 =	simm.s32 @!p0 $0x0  }
0x13c: {  	[tilespmem:v12+s9+$0x0] =	vst.idx.msk vm0, v7;
	s0 =	ssub.s32 s0, s1  }
0x13d: {  	[tilespmem:v12+s10+$0x0] =	vst.idx.msk vm0, v13;
	s1 =	sshll.u32 s0, $0x4  }
0x13e: {  	s29 =	sadd.s32 $0x1, s0;
	v7 =	vld [tilespmem:s1+$0x19870]  }
0x13f: {  	v8 =	vld [tilespmem:s1+$0x1A8F0];
	s30 =	sand.u32 $0x1, s29  }
0x140: {  	p5 =	slt.s32 s0, $0x0;
	s28 =	sadd.s32 $0xFFFFFFF0, s1;
	p6 =	seq.s32 s30, $0x1  }
.Ltmp8:
0x141: {  	s31 =	sshrl.u32 s29, $0x1F;
	v9 =	vor.u32 s28, v0;
	p0 =	por !p5, !p6;
	(pc) =	sbr.rel .LBB2_11-.Ltmp8, $4  }
0x142: {  	s3 =	simm.s32 $0x1;
	[tilespmem:s1+$0x19880] =	vst v5;
	s0 =	sadd.s32 s31, s29;
	vm15 =	vlt.s32 v9, s15;
	p0 =	por !p0, !p0  }
0x143: {  	[tilespmem:s1+$0x1A900] =	vst v6;
	s0 =	sshra.s32 s0, $0x1;
	s3 =	simm.s32 @!p0 $0x0;
	v7 =	vnsel vm15, $0xC0400000, v7  }
0x144: {  	s16 =	simm.s32 $0x0;
	s15 =	ssub.s32 s0, s3;
	[tilespmem:s1+$0x19870] =	vst v7;
	v7 =	vnsel vm15, $0x7FFFFFFF, v8  }
0x145: {  	s0 =	simm.f32 $1.000000000e+09;
	s3 =	simm.s32 $0xFFFFFFFF;
	p0 =	slt.s32 s15, $0x1;
	[tilespmem:s1+$0x1A8F0] =	vst v7;
	v7 =	vimm.s32 $0x0  }
.LBB2_12:
0x146: {  	v8 =	vimm.s32 $0xFFFFFFFF;
	v9 =	vimm.f32 $-4.000000000e+00  }
.LBB2_20:
0x147: {  	(xrf0) =	vmax.scan.msk.f32 $0xffff, v9;
	_ =	sdelay $0x5  }
0x148: {  	v10, _, _ =	vpop (xrf0)  }
0x149: {  	v11 =	vbroadcast v10, $0xF;
	_ =	sdelay $0x1  }
0x14a: {  	vm0 =	veq.f32 v9, v11  }
0x14b: {  	v8 =	vnsel vm0, $0xFFFFFFFF, v8  }
0x14c: {  	(xrf0) =	vmin.scan.msk.u32 $0xffff, v8;
	_ =	sdelay $0x5  }
0x14d: {  	(v2sf) =	vpush v10, $0xF;
	v8, _, _ =	vpop (xrf0)  }
0x14e: {  	(v2sf) =	vpush v8, $0xF;
	_ =	sdelay $0xb  }
0x14f: {  	s1 =	sand.u32 $0xF, s16;
	s31 =	sand.u32 $0xF0, s16;
	s16 =	sadd.s32 $0x1, s16  }
0x150: {  	p1 =	sne.s32 s16, $0xD0  }
.Ltmp9:
0x151: {  	s0 =	spop (v2sf);
	(pc) =	sbr.rel @!p1 .LBB2_21-.Ltmp9, $4  }
0x152: {  	v8 =	vmov s1;
	s3 =	spop (v2sf)  }
0x153: {  	vm15 =	veq.s32 v8, v0;
	s3 =	sxor.u32 $0x80000000, s3  }
0x154: {  	v7 =	vsel vm15, s3, v7  }
0x155: {  	[tilespmem:s31+$0x1B980] =	vst v7  }
.LBB2_11:
.Ltmp10:
0x156: {  	(pc) =	sbr.rel @p0 .LBB2_12-.Ltmp10, $1  }
0x157: {  	_ =	sdelay $0x3  }
0x158: {  	s1 =	simm.s32 $0x1A910  }
0x159: {  	s6 =	simm.s32 $0x19890;
	v17 =	vld [tilespmem:s1+$0xFFFFFFF0]  }
0x15a: {  	v18 =	vld [tilespmem:s6+$0xFFFFFFF0];
	_ =	sdelay $0x1  }
0x15b: {  	p2 =	sne.s32 s15, $0x1;
	v8 =	vld [tilespmem:s1+$0x0]  }
.Ltmp11:
0x15c: {  	v12 =	vld [tilespmem:s6+$0x0];
	(pc) =	sbr.rel @!p2 .LBB2_14-.Ltmp11, $4  }
0x15d: {  	v9 =	vmov s0;
	v13 =	vmov s3  }
0x15e: {  	vm0 =	vgt.s32 v17, v13;
	vm1 =	veq.f32 v18, v9  }
0x15f: {  	v10 =	vimm.f32 $-4.000000000e+00;
	s0 =	sadd.s32 $0xFFFFFFFF, s15;
	vm2 =	vlt.f32 v18, v9;
	vm1 =	vmand vm1, vm0  }
0x160: {  	v11 =	vimm.s32 $0x7FFFFFFF;
	s3 =	simm.s32 $0x198B0;
	p1 =	por $0x0, $0x0;
	s6 =	simm.s32 $0x1A930;
	vm0 =	vgt.s32 v8, v13;
	vm1 =	vmor vm2, vm1  }
0x161: {  	v15 =	vld [tilespmem:s6+$0xFFFFFFF0]  }
0x162: {  	vm2 =	veq.f32 v12, v9;
	v19 =	vld [tilespmem:s6+$0x0];
	vm3 =	vlt.f32 v12, v9;
	vm5 =	vlt.s32 v11, v17  }
0x163: {  	v16 =	vld [tilespmem:s3+$0xFFFFFFF0];
	vm4 =	veq.f32 v18, v10;
	vm0 =	vmand vm2, vm0;
	v14 =	vsel vm5, v11, v17  }
0x164: {  	vm2 =	vmor vm3, vm0;
	vm0 =	vgt.f32 v18, v10;
	vm3 =	vmand vm4, vm1  }
0x165: {  	p2 =	sne.s32 s0, $0x1;
	vm1 =	vmand vm0, vm1;
	v14 =	vsel vm3, v14, v11  }
.Ltmp12:
0x166: {  	v20 =	vsel vm1, v17, v14;
	v14 =	vld [tilespmem:s3+$0x0];
	(pc) =	sbr.rel @!p2 .LBB2_16-.Ltmp12, $4  }
0x167: {  	v21 =	vsel vm1, v18, v10;
	vm4 =	vgt.s32 v15, v13;
	vm0 =	vgt.s32 v19, v13  }
0x168: {  	vm1 =	vlt.f32 v16, v9;
	vm5 =	veq.f32 v16, v9;
	vm3 =	veq.f32 v12, v21  }
0x169: {  	s0 =	sadd.s32 $0xFFFFFFFF, s0;
	vm6 =	vlt.s32 v20, v8;
	vm4 =	vmand vm5, vm4;
	vm5 =	vgt.f32 v12, v21  }
0x16a: {  	s6 =	simm.s32 $0x198D0;
	p1 =	por $0x1, $0x1;
	s3 =	simm.s32 $0x1A950;
	v22 =	vsel vm6, v20, v8;
	vm1 =	vmor vm1, vm4;
	vm4 =	vmand vm2, vm5  }
.LBB2_17:
0x16b: {  	v17 =	vld [tilespmem:s3+$0xFFFFFFF0];
	p2 =	sne.s32 s0, $0x1;
	s0 =	sadd.s32 $0xFFFFFFFF, s0;
	vm5 =	veq.f32 v14, v9;
	vm2 =	vmand vm2, vm3;
	v18 =	vsel vm4, v12, v21;
	v12 =	vmovc v14  }
0x16c: {  	v23 =	vld [tilespmem:s3+$0x0];
	vm3 =	vlt.f32 v12, v9;
	vm0 =	vmand vm5, vm0;
	v14 =	vsel vm2, v22, v20  }
0x16d: {  	v22 =	vld [tilespmem:s6+$0xFFFFFFF0];
	v20 =	vsel vm4, v8, v14;
	v8 =	vmov v19  }
0x16e: {  	vm4 =	veq.f32 v16, v18;
	vm2 =	vmor vm3, vm0;
	v14 =	vld [tilespmem:s6+$0x0];
	vm5 =	vlt.s32 v20, v15  }
0x16f: {  	vm0 =	vgt.f32 v16, v18;
	vm3 =	vmand vm4, vm1;
	v19 =	vsel vm5, v20, v15  }
.Ltmp13:
0x170: {  	vm1 =	vmand vm0, vm1;
	vm4 =	vgt.s32 v17, v13;
	v24 =	vsel vm3, v19, v20;
	(pc) =	sbr.rel @p2 .LBB2_17-.Ltmp13, $4  }
0x171: {  	v21 =	vsel vm1, v16, v18;
	vm0 =	vgt.s32 v23, v13;
	v20 =	vsel vm1, v15, v24;
	v15 =	vmovc v17  }
0x172: {  	vm3 =	veq.f32 v12, v21;
	vm1 =	vlt.f32 v22, v9;
	vm5 =	veq.f32 v22, v9;
	v19 =	vmovc v23  }
0x173: {  	vm6 =	vlt.s32 v20, v8;
	v16 =	vmovc v22;
	vm4 =	vmand vm5, vm4;
	vm5 =	vgt.f32 v12, v21  }
0x174: {  	s3 =	sadd.s32 $0x20, s3;
	s6 =	sadd.s32 $0x20, s6;
	v22 =	vsel vm6, v20, v8;
	vm1 =	vmor vm1, vm4;
	vm4 =	vmand vm2, vm5  }
0x175: {  	v13 =	vmovc v8;
	v8 =	vmov v19;
	v18 =	vmov v16;
	v17 =	vmov v15  }
.LBB2_19:
0x176: {  	vm2 =	vmand @p1 vm2, vm3  }
0x177: {  	v15 =	vsel @p1 vm2, v22, v20  }
0x178: {  	v12 =	vsel @p1 vm4, v12, v21;
	v13 =	vsel @p1 vm4, v13, v15  }
0x179: {  	v10 =	vpsel p1, v12, v10;
	v11 =	vpsel p1, v13, v11  }
0x17a: {  	vm8 =	veq.f32 v14, v9;
	vm9 =	veq.f32 v18, v10;
	vm10 =	vlt.s32 v11, v17  }
0x17b: {  	vm5 =	vgt.f32 v18, v10;
	vm3 =	vmand vm9, vm1;
	v63 =	vsel vm10, v11, v17  }
0x17c: {  	vm11 =	vlt.f32 v14, v9;
	vm12 =	vmand vm5, vm1;
	v9 =	vsel vm3, v63, v11  }
0x17d: {  	vm0 =	vmand vm8, vm0;
	v10 =	vsel vm12, v18, v10;
	v9 =	vsel vm12, v17, v9  }
.Ltmp14:
0x17e: {  	vm0 =	vmor vm11, vm0;
	vm13 =	veq.f32 v14, v10;
	vm14 =	vlt.s32 v9, v8;
	(pc) =	sbr.rel .LBB2_20-.Ltmp14, $4  }
0x17f: {  	vm15 =	vgt.f32 v14, v10;
	vm1 =	vmand vm0, vm13;
	v11 =	vsel vm14, v9, v8  }
0x180: {  	vm0 =	vmand vm0, vm15;
	v9 =	vsel vm1, v11, v9  }
0x181: {  	v8 =	vsel vm0, v8, v9  }
0x182: {  	v9 =	vsel vm0, v14, v10;
	v8 =	vxor.u32 $0x80000000, v8  }
.LBB2_14:
.Ltmp15:
0x183: {  	(pc) =	sbr.rel .LBB2_19-.Ltmp15, $2  }
0x184: {  	_ =	sdelay $0x2  }
0x185: {  	v14 =	vmov v12  }
.LBB2_16:
.Ltmp16:
0x186: {  	(pc) =	sbr.rel .LBB2_19-.Ltmp16, $2  }
0x187: {  	_ =	sdelay $0x2  }
0x188: {  	v13 =	vmovc v8;
	v8 =	vmov v19;
	v18 =	vmov v16;
	v17 =	vmov v15  }
.LBB2_23:
0x189: {  	_ =	sfence.sel $0x180000  }
0x18a: {  	[bflag:$0x0] =	sbarrier.arrive $0xFFFF  }
0x18b: {  	_ =	strace $0x9000004A  }
0x18c: {  	s0 =	stileid.u32;
	[bflag:$0x2] =	sbarrier.arrive $0xFFFF  }
0x18d: {  	p0 =	sne.s32 s0, $0x0;
	s0 =	rddreg [dreg:$0x2]  }
0x18e: {  	s0 =	sadd.s32 @!p0 $0x100000, s0  }
0x18f: {  	[sflag:s0] =	ssyncadd.tile.s32 @!p0 $0x1;
	_ =	shalt  }
.Lfunc_end2:
_tile_overlayer_lowered:
.L_overlay_start_2:
0x190: {  	(tag) =	ssettag $0x2  }
0x191: {  	s0 =	rddreg [dreg:$0x0];
	s2 =	stileid.u32  }
0x192: {  	s1 =	rddreg [dreg:$0x1];
	p0 =	sne.s32 s2, $0x0  }
0x193: {  	s3 =	rddreg [dreg:$0x2];
	[bflag:$0x3] =	sbarrier.arrive $0xFFFF;
	s2 =	simm.s32 @!p0 $0x1C01  }
0x194: {  	[timem:s3], [sflag:s2] =	dma.local @!p0 [hbm:s0], s1  }
0x195: {  	s0 =	simm.s32 @!p0 $0x1  }
0x196: {  	_ =	swait.ge @!p0 [sflag:s0], s1  }
0x197: {  	s1 =	ssub.s32 @!p0 $0x0, s1;
	[sflag:s0] =	ssyncset.done @!p0 $0x0  }
0x198: {  	[sflag:s0] =	ssyncadd.s32 @!p0 s1  }
0x199: {  	[bflag:$0x3] =	sbarrier.arrive $0xFFFF  }
0x19a: {  	_ =	shalt  }

// kernel: sparse-core-data-format-call.cloned.1.call-start
scs
called_computation_lowered:
.L_overlay_start_0:
0x0: {  	s1 =	sld [smem:$0x3FD9]  }
0x1: {  	s2 =	sld [smem:$0x3FFE];
	_ =	sdelay $0x1  }
0x2: {  	s3 =	srdreg.scid  }
0x3: {  	s0 =	sand.u32 $0x1, s3  }
0x4: {  	s17 =	sshll.u32 s0, $0xA;
	s1 =	sadd.s32 s2, s1  }
0x5: {  	s1 =	sadd.s32 s1, s17  }
0x6: {  	[smem:$0x3FC3] =	sst s1  }
0x7: {  	_ = 	snop  }
0x8: {  	(tm) =	ssettm $0x1  }
0x9: {  	s18 =	sld [smem:$0x3FFB];
	_ =	sdelay $0x3  }
0xa: {  	_ =	strace s18  }
0xb: {  	s1 =	sld [smem:$0x3FFC];
	_ =	sdelay $0x3  }
0xc: {  	_ =	strace s1  }
0xd: {  	s1 =	sld [smem:$0x3FFD];
	_ =	sdelay $0x3  }
0xe: {  	_ =	strace s1  }
0xf: {  	_ =	strace $0x8FFFFFFF  }
0x10: {  	s19 =	sld [smem:$0x3FDB];
	_ =	sdelay $0x1  }
0x11: {  	s20 =	simm.s32 $_scs_section_size  }
0x12: {  	s4 =	simm.s32 $_size__tile_overlayer_lowered;
	s5 =	simm.s32 $_tile_overlayer_lowered  }
0x13: {  	s23 =	simm.s32 $0x1BFF;
	s22 =	sshll.u32 s5, $0x1;
	s1 =	sadd.s32 s20, s19  }
0x14: {  	s6 =	simm.s32 $0x0;
	s21 =	sshll.u32 s4, $0x1;
	s4 =	sadd.s32 s22, s1  }
0x15: {  	[timem:s6], [sflag:s23] =	dma.local [hbm:s4], s21  }
0x16: {  	_ =	swait.ge [sflag:s23], s21  }
0x17: {  	s2 =	ssub.s32 $0x0, s21;
	[sflag:s23] =	ssyncset.done $0x0  }
0x18: {  	[sflag:s23] =	ssyncadd.s32 s2;
	_ =	sdelay $0x1  }
0x19: {  	s24 =	simm.s32 $0x1B8B  }
0x1a: {  	_ =	swait.ge [sflag:s24], $0x1  }
0x1b: {  	[sflag:s24] =	ssyncset.done $0x0  }
0x1c: {  	s26 =	simm.s32 $0x1B8E;
	s25 =	sld [smem:$0x3FFE];
	[sflag:s24] =	ssyncadd.s32 $0xFFFFFFFF  }
0x1d: {  	s27 =	simm.s32 $execute0_lowered;
	[smem:$0x3FD2] =	sst s26  }
0x1e: {  	s4 =	sshll.u32 s27, $0x1;
	_ =	strace $0x80000046;
	[dreg:$0x1] =	wrdreg $0xFFFFFFFF  }
0x1f: {  	s28 =	simm.s32 $_size_execute0_lowered;
	s1 =	sadd.s32 s1, s4;
	[dreg:$0x0] =	wrdreg $0x0  }
0x20: {  	s4 =	sshll.u32 s28, $0x1;
	[dreg:$0x2] =	wrdreg s1  }
0x21: {  	[dreg:$0x3] =	wrdreg s4  }
0x22: {  	[dreg:$0x4] =	wrdreg $0xC0  }
0x23: {  	_ =	task [dreg:s6], $0x5FFFF  }
0x24: {  	[dreg:$0x1] =	wrdreg $0xFFFFFFFF  }
0x25: {  	[dreg:$0x0] =	wrdreg $0x60  }
0x26: {  	[dreg:$0x2] =	wrdreg s25  }
0x27: {  	[dreg:$0x3] =	wrdreg $0x9  }
0x28: {  	_ =	task.clear_ibuf [dreg:s6], $0x4FFFF;
	_ =	strace $0x90000046  }
0x29: {  	s29 =	simm.s32 $0x9;
	_ =	strace $0x80000048  }
0x2a: {  	_ =	swait.ge [sflag:s29], $0x1  }
0x2b: {  	[sflag:s29] =	ssyncadd.s32 $0xFFFFFFFF  }
0x2c: {  	_ =	strace $0x90000048  }
0x2d: {  	_ =	sfence  }
0x2e: {  	s30 =	sld [smem:$0x0];
	_ =	sdelay $0x2  }
0x2f: {  	s31 =	sshll.u32 s3, $0xD;
	s3 =	sshrl.u32 s3, $0x2  }
0x30: {  	s2 =	sand.u32 $0x4000, s31;
	s1 =	sadd.s32 s3, s30  }
0x31: {  	s0 =	sor.u32 s2, s0;
	s1 =	sshll.u32 s1, $0x11  }
0x32: {  	s0 =	sor.u32 s1, s0  }
0x33: {  	s0 =	sadd.s32 $0x8F2B, s0  }
0x34: {  	[sflag:s0] =	ssyncadd.remote.s32 $0x1  }
0x35: {  	_ =	sfence.sel $0xFFFF  }
0x36: {  	[dreg:$0x0] =	wrdreg $0xFFFFFFFF;
	(pc) =	sbr.abs _section_cstart, $3  }
0x37: {  	[dreg:$0x1] =	wrdreg $0xFFFFFFFF  }
0x38: {  	_ =	task.clear_ibuf [dreg:s6], $0x2FFFF;
	_ =	strace $0x9FFFFFFF  }
0x39: {  	(tm) =	ssettm $0x7FFFFFFF  }
tec
execute0_lowered:
.L_overlay_start_1:
0x0: {  	(tag) =	ssettag $0x1  }
0x1: {  	s1 =	rddreg [dreg:$0x0]  }
0x2: {  	s0 =	rddreg [dreg:$0x1]  }
0x3: {  	_ =	strace $0x80000047;
	s4 =	srdreg.scid;
	s6 =	simm.s32 $0x2  }
0x4: {  	s11 =	simm.s32 $0x0;
	p0 =	por $0x0, $0x0;
	s7 =	simm.s32 $0x18800  }
.Ltmp0:
0x5: {  	s12 =	simm.s32 $0x0;
	s9 =	simm.s32 $0x0;
	(pc) =	sbr.rel .LBB1_1-.Ltmp0, $4  }
0x6: {  	s2 =	sadd.s32 $0x30EA00, s1;
	s3 =	sadd.s32 $0xF4EA00, s1;
	s5 =	sshll.u32 s4, $0x4  }
0x7: {  	s1 =	stileid.u32;
	s4 =	simm.s32 $0x1;
	s5 =	sand.u32 $0x10, s5  }
0x8: {  	s8 =	simm.s32 $0x0;
	[sflag:s4] =	ssyncpa.u1 $0x0;
	s5 =	sor.u32 s1, s5  }
0x9: {  	[sflag:s6] =	ssyncpa.u1 $0x0;
	s6 =	simm.s32 $0x800;
	s10 =	smov.u32 s5  }
.LBB1_7:
0xa: {  	s13 =	sadd.s32 $0x10, s9  }
0xb: {  	s11 =	sadd.s32 $0x20, s10;
	s15 =	smov.u32 s10;
	p2 =	sgt.s32 s13, $0x30F  }
0xc: {  	p1 =	slt.u32 s8, $0x2;
	s15 =	smov.u32 @p2 s11  }
0xd: {  	s8 =	sadd.s32 $0x1, s8;
	s13 =	simm.s32 @p2 $0x0;
	p2 =	sgt.s32 s15, $0x7F  }
0xe: {  	s15 =	smov.u32 @p2 s5;
	p2 =	sne.s32 s8, $0xC6  }
.Ltmp1:
0xf: {  	_ = 	snop;
	(pc) =	sbr.rel @!p2 .LBB1_8-.Ltmp1, $4  }
0x10: {  	s14 =	simm.s32 @!p1 $0x2  }
0x11: {  	s12 =	smov.u32 s10;
	_ =	swait.ge @!p1 [sflag:s14], $0x4000  }
0x12: {  	p0 =	por !p0, !p0;
	s11 =	smov.u32 s9;
	[sflag:s14] =	ssyncset.done @!p1 $0x0  }
0x13: {  	s9 =	smov.u32 s13;
	[sflag:s14] =	ssyncadd.s32 @!p1 $0xFFFFC000;
	s10 =	smov.u32 s15  }
.LBB1_1:
0x14: {  	p1 =	sgt.u32 s8, $0xC3  }
0x15: {  	s13 =	smul.u32 @!p1 $0x18800, s10  }
0x16: {  	s14 =	sxor.u32 @!p1 $0xFFFFFFFF, s8  }
0x17: {  	s15 =	sshll.u32 @!p1 s9, $0x7;
	s14 =	sshll.u32 @!p1 s14, $0xE;
	s13 =	sadd.s32 @!p1 s2, s13  }
0x18: {  	s14 =	sand.u32 @!p1 $0x4000, s14;
	s13 =	sadd.s32 @!p1 s15, s13;
	s15 =	simm.s32 @!p1 $0x0  }
0x19: {  	[tilespmem:s14], [sflag:$0x1] =	stream.linear.gather @!p1 [hbm4b:s13+s15], $0x4000, $0x38;
	[tilespmem:$0x10000] =	vst v63  }
0x1a: {  	p1 =	seq.s32 s8, $0x0  }
0x1b: {  	p2 =	seq.s32 @!p1 s8, $0xC5  }
0x1c: {  	p1 =	por p1, p2  }
.Ltmp2:
0x1d: {  	_ = 	snop;
	(pc) =	sbr.rel @p1 .LBB1_7-.Ltmp2, $1  }
0x1e: {  	_ =	sdelay $0x3  }
0x1f: {  	s13 =	simm.s32 $0x1;
	_ =	swait.ge [sflag:s4], $0x4000;
	s16 =	sshll.u32 s8, $0xE  }
0x20: {  	s13 =	simm.s32 @!p0 $0x0;
	[sflag:s4] =	ssyncset.done $0x0;
	s31 =	sand.u32 $0x4000, s16  }
0x21: {  	s16 =	simm.s32 $0x0;
	s13 =	sshll.u32 s13, $0xE;
	[sflag:s4] =	ssyncadd.s32 $0xFFFFC000  }
0x22: {  	s14 =	sor.u32 $0x8040, s13;
	s15 =	sor.u32 $0x40, s13;
	s13 =	sor.u32 $0x8000, s31  }
.LBB1_3:
0x23: {  	v0 =	vmov s15;
	_ =	sdelay $0x3  }
0x24: {  	s18 =	simm.s32 $0x0  }
0x25: {  	v6 =	vld.idx.msk [tilespmem:v0+s18+$0x30 ss:$0x1], $0xffff  }
0x26: {  	v7 =	vld.idx.msk [tilespmem:v0+s18+$0xFFFFFFC0 ss:$0x1], $0xffff  }
0x27: {  	v5 =	vld.idx.msk [tilespmem:v0+s18+$0xFFFFFFD0 ss:$0x1], $0xffff  }
0x28: {  	v4 =	vld.idx.msk [tilespmem:v0+s18+$0xFFFFFFE0 ss:$0x1], $0xffff  }
0x29: {  	v3 =	vld.idx.msk [tilespmem:v0+s18+$0xFFFFFFF0 ss:$0x1], $0xffff  }
0x2a: {  	v1 =	vld.idx.msk [tilespmem:v0+s18+$0x0 ss:$0x1], $0xffff  }
0x2b: {  	v2 =	vld.idx.msk [tilespmem:v0+s18+$0x10 ss:$0x1], $0xffff;
	[tilespmem:s14+$0x30] =	vst v6  }
0x2c: {  	s17 =	simm.s32 $0x80;
	s19 =	simm.s32 $0x400;
	[tilespmem:s14+$0xFFFFFFC0] =	vst v7;
	v6 =	vld.idx.msk [tilespmem:v0+s18+$0x20 ss:$0x1], $0xffff;
	s18 =	smov.u32 s14  }
.LBB1_4:
0x2d: {  	p1 =	sne.s32 s19, $0xE00;
	v7 =	vld.idx.msk [tilespmem:v0+s17+$0x30 ss:$0x1], $0xffff;
	[tilespmem:s18+$0xFFFFFFD0] =	vst v5  }
0x2e: {  	v8 =	vld.idx.msk [tilespmem:v0+s17+$0xFFFFFFC0 ss:$0x1], $0xffff;
	[tilespmem:s18+$0xFFFFFFE0] =	vst v4  }
0x2f: {  	v5 =	vld.idx.msk [tilespmem:v0+s17+$0xFFFFFFD0 ss:$0x1], $0xffff;
	[tilespmem:s18+$0xFFFFFFF0] =	vst v3  }
.Ltmp3:
0x30: {  	v4 =	vld.idx.msk [tilespmem:v0+s17+$0xFFFFFFE0 ss:$0x1], $0xffff;
	[tilespmem:s18+$0x0] =	vst v1;
	(pc) =	sbr.rel @p1 .LBB1_4-.Ltmp3, $4  }
0x31: {  	v3 =	vld.idx.msk [tilespmem:v0+s17+$0xFFFFFFF0 ss:$0x1], $0xffff;
	[tilespmem:s18+$0x10] =	vst v2  }
0x32: {  	v1 =	vld.idx.msk [tilespmem:v0+s17+$0x0 ss:$0x1], $0xffff;
	[tilespmem:s18+$0x20] =	vst v6;
	s18 =	sadd.s32 $0x800, s18  }
0x33: {  	v2 =	vld.idx.msk [tilespmem:v0+s17+$0x10 ss:$0x1], $0xffff;
	[tilespmem:s18+$0x30] =	vst v7  }
0x34: {  	[tilespmem:s18+$0xFFFFFFC0] =	vst v8;
	v6 =	vld.idx.msk [tilespmem:v0+s17+$0x20 ss:$0x1], $0xffff;
	s17 =	sshra.s32 s19, $0x2;
	s19 =	sadd.s32 $0x200, s19  }
0x35: {  	_ =	sdelay $0x2  }
0x36: {  	[tilespmem:s18+$0xFFFFFFD0] =	vst v5  }
0x37: {  	v56 =	vld.idx.msk [tilespmem:v0+s17+$0x30 ss:$0x1], $0xffff;
	[tilespmem:s18+$0xFFFFFFE0] =	vst v4  }
0x38: {  	v57 =	vld.idx.msk [tilespmem:v0+s17+$0xFFFFFFC0 ss:$0x1], $0xffff;
	[tilespmem:s18+$0xFFFFFFF0] =	vst v3  }
0x39: {  	v58 =	vld.idx.msk [tilespmem:v0+s17+$0xFFFFFFD0 ss:$0x1], $0xffff;
	[tilespmem:s18+$0x0] =	vst v1  }
0x3a: {  	v59 =	vld.idx.msk [tilespmem:v0+s17+$0xFFFFFFE0 ss:$0x1], $0xffff;
	[tilespmem:s18+$0x10] =	vst v2  }
0x3b: {  	v60 =	vld.idx.msk [tilespmem:v0+s17+$0xFFFFFFF0 ss:$0x1], $0xffff;
	s31 =	sadd.s32 $0x800, s18;
	[tilespmem:s18+$0x20] =	vst v6  }
0x3c: {  	v61 =	vld.idx.msk [tilespmem:v0+s17+$0x0 ss:$0x1], $0xffff;
	[tilespmem:s31+$0x30] =	vst v56  }
0x3d: {  	v62 =	vld.idx.msk [tilespmem:v0+s17+$0x10 ss:$0x1], $0xffff;
	s16 =	sadd.s32 $0x1, s16;
	[tilespmem:s31+$0xFFFFFFC0] =	vst v57  }
0x3e: {  	v63 =	vld.idx.msk [tilespmem:v0+s17+$0x20 ss:$0x1], $0xffff;
	p1 =	sne.s32 s16, $0x10;
	[tilespmem:s31+$0xFFFFFFD0] =	vst v58  }
.Ltmp4:
0x3f: {  	[tilespmem:s31+$0xFFFFFFE0] =	vst v59;
	(pc) =	sbr.rel @p1 .LBB1_3-.Ltmp4, $4  }
0x40: {  	[tilespmem:s31+$0xFFFFFFF0] =	vst v60  }
0x41: {  	[tilespmem:s31+$0x0] =	vst v61  }
0x42: {  	[tilespmem:s31+$0x10] =	vst v62  }
0x43: {  	s14 =	sadd.s32 $0x80, s14;
	s15 =	sadd.s32 $0x400, s15;
	[tilespmem:s31+$0x20] =	vst v63  }
0x44: {  	s11 =	sand.u32 $0x1FFFFFF, s11  }
0x45: {  	s14 =	smulhi.u32 $0x14E5E0B, s11;
	_ =	sdelay $0x1  }
0x46: {  	s12 =	smul.u32 $0x18800, s12;
	s14 =	sshrl.u32 s14, $0x2  }
0x47: {  	s14 =	smul.u32 $0x310, s14  }
.Ltmp5:
0x48: {  	_ = 	snop;
	(pc) =	sbr.rel .LBB1_7-.Ltmp5, $4  }
0x49: {  	s11 =	ssub.s32 s11, s14  }
0x4a: {  	s12 =	sadd.s32 s3, s12;
	s11 =	sshll.u32 s11, $0x4  }
0x4b: {  	s11 =	sadd.s32 s11, s12  }
0x4c: {  	[hbm4b:s11+s6] =	stream.strided.scatter [tilespmem:s13], [sflag:$0x2], $0x4000, s7, s6, $0x38;
	[tilespmem:$0x10000] =	vst v63  }
.LBB1_8:
0x4d: {  	_ =	sfence.sel $0x180000  }
0x4e: {  	s2 =	simm.s32 $0x1;
	[bflag:$0x0] =	sbarrier.arrive $0xFFFF  }
0x4f: {  	s31 =	simm.s32 $0x2;
	[sflag:s2] =	ssyncpa.u1 $0x1  }
0x50: {  	[sflag:s31] =	ssyncpa.u1 $0x1  }
0x51: {  	p0 =	sne.s32 s1, $0x0;
	_ =	strace $0x90000047  }
0x52: {  	s0 =	sadd.s32 @!p0 $0x100000, s0;
	[bflag:$0x2] =	sbarrier.arrive $0xFFFF  }
0x53: {  	[sflag:s0] =	ssyncadd.tile.s32 @!p0 $0x1;
	_ =	shalt  }
.Lfunc_end1:
_tile_overlayer_lowered:
.L_overlay_start_2:
0x54: {  	(tag) =	ssettag $0x2  }
0x55: {  	s0 =	rddreg [dreg:$0x0];
	s2 =	stileid.u32  }
0x56: {  	s1 =	rddreg [dreg:$0x1];
	p0 =	sne.s32 s2, $0x0  }
0x57: {  	s3 =	rddreg [dreg:$0x2];
	[bflag:$0x3] =	sbarrier.arrive $0xFFFF;
	s2 =	simm.s32 @!p0 $0x1C01  }
0x58: {  	[timem:s3], [sflag:s2] =	dma.local @!p0 [hbm:s0], s1  }
0x59: {  	s0 =	simm.s32 @!p0 $0x1  }
0x5a: {  	_ =	swait.ge @!p0 [sflag:s0], s1  }
0x5b: {  	s1 =	ssub.s32 @!p0 $0x0, s1;
	[sflag:s0] =	ssyncset.done @!p0 $0x0  }
0x5c: {  	[sflag:s0] =	ssyncadd.s32 @!p0 s1  }
0x5d: {  	[bflag:$0x3] =	sbarrier.arrive $0xFFFF  }
0x5e: {  	_ =	shalt  }

</sc_bundles>
